<compile_context>
chip_gen: v7x
topology: tpu7x:2x2x1
jax: 0.10.2.dev20260603
libtpu: 0.0.44.dev20260713+nightly
codegen_flags: <defaults>
</compile_context>

<pallas_src>
import functools

import numpy as np

import jax
import jax.numpy as jnp
from jax import lax
from jax.experimental import pallas as pl
from jax.experimental.pallas import tpu as pltpu
from jax.experimental.pallas import tpu_sc as plsc

N = 50000
E = 800000
D = 64
SH = 9
R = 8
H = 128

NC = 2
NS = 16
NW = NC * NS

EB = 128

G_EPW = E // NW
G_CH = 512
G_FULL = G_EPW // G_CH
G_TAIL = G_EPW - G_FULL * G_CH
G_TAIL_FULL = G_TAIL // EB
G_TAIL_REM = G_TAIL % EB

NBLK = E // EB
S_CH = 4
S_LO = NBLK // NS
S_HI = S_LO + 1
S_EXTRA = NBLK - S_LO * NS
N_ACC = 50176
ACC_PS = N_ACC // NS
ZROWS = 64

M_BLK = 1280
UPD_BLK = 1024

_SLOT = np.arange(E, dtype=np.int64)
_ROW = _SLOT >> 2
_EDGE_OF_SLOT = (_ROW // 320) * M_BLK + (_SLOT & 3) * 320 + _ROW % 320


def _silu(x):
    return x * jax.nn.sigmoid(x)


def _make_sc_gather():
    mesh = plsc.VectorSubcoreMesh(core_axis_name="c", subcore_axis_name="s")

    @functools.partial(
        pl.kernel,
        out_type=jax.ShapeDtypeStruct((E, D), jnp.float32),
        mesh=mesh,
        scratch_types=[
            pltpu.VMEM((G_CH,), jnp.int32),
            pltpu.VMEM((G_CH, D), jnp.float32),
            pltpu.SemaphoreType.DMA,
        ],
        compiler_params=pltpu.CompilerParams(use_tc_tiling_on_sc=False),
    )
    def gather_k(nf_hbm, src_hbm, out_hbm, idx_v, rows_v, sem):
        c = lax.axis_index("c")
        s = lax.axis_index("s")
        wid = s * NC + c
        base = wid * G_EPW

        def body(i, carry):
            off = base + i * G_CH
            pltpu.sync_copy(src_hbm.at[pl.ds(off, G_CH)], idx_v)
            copies = [
                pltpu.async_copy(
                    nf_hbm.at[idx_v.at[pl.ds(j * EB, EB)]],
                    rows_v.at[pl.ds(j * EB, EB)], sem)
                for j in range(G_CH // EB)
            ]
            for cp in copies:
                cp.wait()
            pltpu.sync_copy(rows_v, out_hbm.at[pl.ds(off, G_CH)])
            return carry

        lax.fori_loop(0, G_FULL, body, 0)

        off = base + G_FULL * G_CH
        pltpu.sync_copy(src_hbm.at[pl.ds(off, G_TAIL)],
                        idx_v.at[pl.ds(0, G_TAIL)])
        copies = [
            pltpu.async_copy(
                nf_hbm.at[idx_v.at[pl.ds(j * EB, EB)]],
                rows_v.at[pl.ds(j * EB, EB)], sem)
            for j in range(G_TAIL_FULL)
        ]
        copies.append(pltpu.async_copy(
            nf_hbm.at[idx_v.at[pl.ds(G_TAIL_FULL * EB, G_TAIL_REM)]],
            rows_v.at[pl.ds(G_TAIL_FULL * EB, G_TAIL_REM)], sem))
        for cp in copies:
            cp.wait()
        pltpu.sync_copy(rows_v.at[pl.ds(0, G_TAIL)],
                        out_hbm.at[pl.ds(off, G_TAIL)])

    return gather_k


def _make_sc_scatter():
    mesh = plsc.VectorSubcoreMesh(core_axis_name="c", subcore_axis_name="s")

    @functools.partial(
        pl.kernel,
        out_type=jax.ShapeDtypeStruct((NC, N_ACC, D // 2), jnp.float32),
        mesh=mesh,
        scratch_types=[
            pltpu.VMEM((S_CH, EB), jnp.int32),
            pltpu.VMEM((S_CH * EB, D // 2), jnp.float32),
            pltpu.VMEM((ZROWS, D // 2), jnp.float32),
            pltpu.VMEM_SHARED((N_ACC, D // 2), jnp.float32),
        ],
        compiler_params=pltpu.CompilerParams(use_tc_tiling_on_sc=False),
    )
    def scatter_k(dst_hbm, msg_hbm, out_hbm, idx_v, msg_v, zbuf_v, acc_sh):
        c = lax.axis_index("c")
        s = lax.axis_index("s")

        def zrow(i, carry):
            zbuf_v[i, pl.ds(0, 16)] = jnp.zeros((16,), jnp.float32)
            zbuf_v[i, pl.ds(16, 16)] = jnp.zeros((16,), jnp.float32)
            return carry

        lax.fori_loop(0, ZROWS, zrow, 0)

        def zcopy(i, carry):
            pltpu.sync_copy(zbuf_v,
                            acc_sh.at[pl.ds(s * ACC_PS + i * ZROWS, ZROWS)])
            return carry

        lax.fori_loop(0, ACC_PS // ZROWS, zcopy, 0)
        plsc.subcore_barrier()

        base = s * S_LO + jnp.minimum(s, S_EXTRA)

        def chunk(blk, nblk):
            pltpu.sync_copy(dst_hbm.at[pl.ds(blk, nblk)],
                            idx_v.at[pl.ds(0, nblk)])
            pltpu.sync_copy(msg_hbm.at[c].at[pl.ds(blk * EB, nblk * EB)],
                            msg_v.at[pl.ds(0, nblk * EB)])
            for j in range(nblk):
                pltpu.sync_copy(msg_v.at[pl.ds(j * EB, EB)],
                                acc_sh.at[idx_v.at[j]], add=True)

        def body(i, carry):
            chunk(base + i * S_CH, S_CH)
            return carry

        n_full_lo = S_LO // S_CH
        lax.fori_loop(0, n_full_lo, body, 0)

        @pl.when(s < S_EXTRA)
        def _():
            chunk(base + n_full_lo * S_CH, S_LO - n_full_lo * S_CH + 1)

        @pl.when(s >= S_EXTRA)
        def _():
            chunk(base + n_full_lo * S_CH, S_LO - n_full_lo * S_CH)

        plsc.subcore_barrier()

        pltpu.sync_copy(acc_sh.at[pl.ds(s * ACC_PS, ACC_PS)],
                        out_hbm.at[c].at[pl.ds(s * ACC_PS, ACC_PS)])

    return scatter_k


def _mlp_body(g_ref, sht_ref, radt_ref, w1g_ref, w1s_ref, w1r_ref,
              b1_ref, w2_ref, b2_ref, w3_ref, b3_ref, out_ref):
    cdim = (((0,), (0,)), ((), ()))
    pre = jnp.dot(g_ref[...], w1g_ref[...],
                  preferred_element_type=jnp.float32)
    pre += lax.dot_general(sht_ref[...], w1s_ref[...], cdim,
                           preferred_element_type=jnp.float32)
    pre += lax.dot_general(radt_ref[...], w1r_ref[...], cdim,
                           preferred_element_type=jnp.float32)
    h = _silu(pre + b1_ref[...])
    h = _silu(jnp.dot(h, w2_ref[...], preferred_element_type=jnp.float32)
              + b2_ref[...])
    m = (jnp.dot(h, w3_ref[...], preferred_element_type=jnp.float32)
         + b3_ref[...])
    q = M_BLK // 4
    for half in range(NC):
        mc = m[:, half * (D // 2): (half + 1) * (D // 2)]
        out_ref[half] = jnp.concatenate(
            [mc[p * q:(p + 1) * q, :] for p in range(4)], axis=1)


def _run_mlp(gathered, sh_t, rad_t, W1, b1, W2, b2, W3, b3):
    grid = E // M_BLK

    return pl.pallas_call(
        _mlp_body,
        grid=(grid,),
        in_specs=[
            pl.BlockSpec((M_BLK, D), lambda i: (i, 0)),
            pl.BlockSpec((SH, M_BLK), lambda i: (0, i)),
            pl.BlockSpec((R, M_BLK), lambda i: (0, i)),
            pl.BlockSpec((D, H), lambda i: (0, 0)),
            pl.BlockSpec((SH, H), lambda i: (0, 0)),
            pl.BlockSpec((R, H), lambda i: (0, 0)),
            pl.BlockSpec((1, H), lambda i: (0, 0)),
            pl.BlockSpec((H, H), lambda i: (0, 0)),
            pl.BlockSpec((1, H), lambda i: (0, 0)),
            pl.BlockSpec((H, D), lambda i: (0, 0)),
            pl.BlockSpec((1, D), lambda i: (0, 0)),
        ],
        out_specs=pl.BlockSpec((NC, M_BLK // 4, 128), lambda i: (0, i, 0)),
        out_shape=jax.ShapeDtypeStruct((NC, E // 4, 128), jnp.float32),
    )(gathered, sh_t, rad_t, W1[:D], W1[D:D + SH], W1[D + SH:],
      b1.reshape(1, H), W2, b2.reshape(1, H), W3, b3.reshape(1, D))


def _update_body(nf_ref, agg_ref, g_ref, gb_ref, u1_ref, ub1_ref,
                 ln1g_ref, ln1b_ref, u2_ref, ub2_ref, ln2g_ref, ln2b_ref,
                 out_ref):
    nf = nf_ref[...]
    x = jnp.concatenate([nf, agg_ref[0], agg_ref[1]], axis=1)
    gate = jax.nn.sigmoid(
        jnp.dot(x, g_ref[...], preferred_element_type=jnp.float32)
        + gb_ref[...])
    u = (jnp.dot(x, u1_ref[...], preferred_element_type=jnp.float32)
         + ub1_ref[...])
    mu = jnp.mean(u, axis=1, keepdims=True)
    var = jnp.mean(jnp.square(u - mu), axis=1, keepdims=True)
    u = (u - mu) * lax.rsqrt(var + 1e-5) * ln1g_ref[...] + ln1b_ref[...]
    u = _silu(u)
    u = (jnp.dot(u, u2_ref[...], preferred_element_type=jnp.float32)
         + ub2_ref[...])
    mu = jnp.mean(u, axis=1, keepdims=True)
    var = jnp.mean(jnp.square(u - mu), axis=1, keepdims=True)
    u = (u - mu) * lax.rsqrt(var + 1e-5) * ln2g_ref[...] + ln2b_ref[...]
    out_ref[...] = nf + gate * u


def _run_update(node_feats, agg, U1, ub1, ln1_g, ln1_b, U2, ub2,
                ln2_g, ln2_b, G, gb):
    grid = pl.cdiv(N, UPD_BLK)

    return pl.pallas_call(
        _update_body,
        grid=(grid,),
        in_specs=[
            pl.BlockSpec((UPD_BLK, D), lambda i: (i, 0)),
            pl.BlockSpec((NC, UPD_BLK, D // 2), lambda i: (0, i, 0)),
            pl.BlockSpec((2 * D, D), lambda i: (0, 0)),
            pl.BlockSpec((1, D), lambda i: (0, 0)),
            pl.BlockSpec((2 * D, H), lambda i: (0, 0)),
            pl.BlockSpec((1, H), lambda i: (0, 0)),
            pl.BlockSpec((1, H), lambda i: (0, 0)),
            pl.BlockSpec((1, H), lambda i: (0, 0)),
            pl.BlockSpec((H, D), lambda i: (0, 0)),
            pl.BlockSpec((1, D), lambda i: (0, 0)),
            pl.BlockSpec((1, D), lambda i: (0, 0)),
            pl.BlockSpec((1, D), lambda i: (0, 0)),
        ],
        out_specs=pl.BlockSpec((UPD_BLK, D), lambda i: (i, 0)),
        out_shape=jax.ShapeDtypeStruct((N, D), jnp.float32),
    )(node_feats, agg, G, gb.reshape(1, D), U1, ub1.reshape(1, H),
      ln1_g.reshape(1, H), ln1_b.reshape(1, H), U2, ub2.reshape(1, D),
      ln2_g.reshape(1, D), ln2_b.reshape(1, D))


def kernel(node_feats, edge_index, edge_sh, edge_radial,
           W1, b1, W2, b2, W3, b3,
           U1, ub1, ln1_g, ln1_b, U2, ub2, ln2_g, ln2_b,
           G, gb):
    src = edge_index[0].astype(jnp.int32)
    dst = edge_index[1].astype(jnp.int32)
    perm = jnp.asarray(_EDGE_OF_SLOT, dtype=jnp.int32)
    dst2d = jnp.take(dst, perm).reshape(NBLK, EB)
    sh_t = edge_sh.T
    rad_t = edge_radial.T

    gathered = _make_sc_gather()(node_feats, src)

    msg = _run_mlp(gathered, sh_t, rad_t, W1, b1, W2, b2, W3, b3)
    msg3 = msg.reshape(NC, E, D // 2)

    agg = _make_sc_scatter()(dst2d, msg3)

    return _run_update(node_feats, agg, U1, ub1, ln1_g, ln1_b,
                       U2, ub2, ln2_g, ln2_b, G, gb)

# --- scband reference (transcript-rebuilt; emitter-appended) ---
"""Pipeline reference for scband-equivariant-message-layer-67826123538713 (READ-ONLY COPY).

The authoritative reference and input builder live on the scoring server;
editing this copy changes nothing except your own understanding.
"""

import jax, jax.numpy as jnp
import numpy as np

N = 50000
E = 800000
D = 64
SH = 9
R = 8
H = 128
MSG_IN = D + SH + R  # 81


def setup_inputs(seed: int = 0) -> dict:
    key = jax.random.key(seed)
    ks = jax.random.split(key, 24)
    inp = {}
    inp["node_feats"] = jax.random.normal(ks[0], (N, D), dtype=jnp.float32)
    inp["edge_index"] = jax.random.randint(ks[1], (2, E), 0, N)
    inp["edge_sh"] = jax.random.normal(ks[2], (E, SH), dtype=jnp.float32)
    inp["edge_radial"] = jax.random.uniform(ks[3], (E, R), dtype=jnp.float32)
    # message_net params
    inp["W1"] = jax.random.normal(ks[4], (MSG_IN, H), dtype=jnp.float32) / np.sqrt(MSG_IN)
    inp["b1"] = jnp.zeros((H,), dtype=jnp.float32)
    inp["W2"] = jax.random.normal(ks[5], (H, H), dtype=jnp.float32) / np.sqrt(H)
    inp["b2"] = jnp.zeros((H,), dtype=jnp.float32)
    inp["W3"] = jax.random.normal(ks[6], (H, D), dtype=jnp.float32) / np.sqrt(H)
    inp["b3"] = jnp.zeros((D,), dtype=jnp.float32)
    # update_net params
    inp["U1"] = jax.random.normal(ks[7], (2 * D, H), dtype=jnp.float32) / np.sqrt(2 * D)
    inp["ub1"] = jnp.zeros((H,), dtype=jnp.float32)
    inp["ln1_g"] = jnp.ones((H,), dtype=jnp.float32)
    inp["ln1_b"] = jnp.zeros((H,), dtype=jnp.float32)
    inp["U2"] = jax.random.normal(ks[8], (H, D), dtype=jnp.float32) / np.sqrt(H)
    inp["ub2"] = jnp.zeros((D,), dtype=jnp.float32)
    inp["ln2_g"] = jnp.ones((D,), dtype=jnp.float32)
    inp["ln2_b"] = jnp.zeros((D,), dtype=jnp.float32)
    # gate params
    inp["G"] = jax.random.normal(ks[9], (2 * D, D), dtype=jnp.float32) / np.sqrt(2 * D)
    inp["gb"] = jnp.zeros((D,), dtype=jnp.float32)
    return inp


def _silu(x):
    return x * jax.nn.sigmoid(x)


def _layernorm(x, gamma, beta, eps=1e-5):
    mu = jnp.mean(x, axis=-1, keepdims=True)
    var = jnp.var(x, axis=-1, keepdims=True)
    return (x - mu) / jnp.sqrt(var + eps) * gamma + beta


def reference(node_feats, edge_index, edge_sh, edge_radial,
              W1, b1, W2, b2, W3, b3,
              U1, ub1, ln1_g, ln1_b, U2, ub2, ln2_g, ln2_b,
              G, gb):
    src = edge_index[0]
    dst = edge_index[1]
    # message: gather src node feats, concat with edge attrs
    msg_input = jnp.concatenate([node_feats[src], edge_sh, edge_radial], axis=-1)
    h = _silu(msg_input @ W1 + b1)
    h = _silu(h @ W2 + b2)
    messages = h @ W3 + b3
    # scatter-add aggregation by dst
    aggregated = jnp.zeros_like(node_feats).at[dst].add(messages)
    # update
    update_input = jnp.concatenate([node_feats, aggregated], axis=-1)
    gate = jax.nn.sigmoid(update_input @ G + gb)
    u = update_input @ U1 + ub1
    u = _layernorm(u, ln1_g, ln1_b)
    u = _silu(u)
    u = u @ U2 + ub2
    u = _layernorm(u, ln2_g, ln2_b)
    out = node_feats + gate * u
    return out

if __name__ == "__main__":
    import jax
    _d = setup_inputs()
    print(jax.jit(kernel)(*tuple(_d.values())))

</pallas_src>

<mosaic_0001>
#map = affine_map<(d0, d1) -> (0, 0)>
#map1 = affine_map<(d0, d1) -> (0)>
module attributes {stable_mosaic.version = 14 : i64} {
  func.func @gather_k(%arg0: i32, %arg1: i32, %arg2: memref<50000x64xf32, #tpu.memory_space<hbm>>, %arg3: memref<800000xi32, #tpu.memory_space<hbm>>, %arg4: memref<800000x64xf32, #tpu.memory_space<hbm>>, %arg5: memref<512xi32, #tpu.memory_space<vmem>>, %arg6: memref<512x64xf32, #tpu.memory_space<vmem>>, %arg7: memref<!tpu.dma_semaphore, #tpu.memory_space<semaphore_mem>>) attributes {dimension_semantics = [#tpu.dimension_semantics<core_parallel>, #tpu.dimension_semantics<subcore_parallel>], iteration_bounds = array<i64: 2, 16>, scalar_prefetch = 0 : i64, scratch_operands = 3 : i64, tpu.core_type = #tpu.core_type<sc_vector_subcore>, window_params = [{transform_indices = #map}, {transform_indices = #map1}, {transform_indices = #map}]} {
    %mul3A = arith.constant 2 : i32
    %mul3A_0 = arith.muli %arg1, %mul3A : i32
    %add3A = arith.addi %mul3A_0, %arg0 : i32
    %mul3A_1 = arith.constant 25000 : i32
    %mul3A_2 = arith.muli %add3A, %mul3A_1 : i32
    %scan3A = arith.constant 0 : i32
    %scan3A_3 = arith.constant 0 : i32
    %scan3A_4 = arith.constant 48 : i32
    %scan3A_5 = arith.addi %scan3A_3, %scan3A_4 : i32
    %scan3A_6 = arith.constant 1 : i32
    scf.for %scan3A_72 = %scan3A_3 to %scan3A_5 step %scan3A_6  : i32 {
      %mul3A_73 = arith.constant 512 : i32
      %mul3A_74 = arith.muli %scan3A_72, %mul3A_73 : i32
      %add3A_75 = arith.addi %mul3A_2, %mul3A_74 : i32
      "tpu.region"() ({
        %run_scoped3A = tpu.sem_alloc : memref<!tpu.dma_semaphore, #tpu.memory_space<semaphore_mem>>
        %dma_start3A_140 = tpu.memref_slice %arg3[%add3A_75] : memref<800000xi32, #tpu.memory_space<hbm>> -> memref<512xi32, #tpu.memory_space<hbm>>
        %dma_start3A_141 = tpu.memref_slice %arg3[%add3A_75] : memref<800000xi32, #tpu.memory_space<hbm>> -> memref<512xi32, #tpu.memory_space<hbm>>
        tpu.enqueue_dma source(%dma_start3A_141 : memref<512xi32, #tpu.memory_space<hbm>>) target(%arg5 : memref<512xi32, #tpu.memory_space<vmem>>) target_semaphore(%run_scoped3A : memref<!tpu.dma_semaphore, #tpu.memory_space<semaphore_mem>>)
        %dma_wait3A_142 = tpu.memref_slice %arg3[%add3A_75] : memref<800000xi32, #tpu.memory_space<hbm>> -> memref<512xi32, #tpu.memory_space<hbm>>
        %dma_wait3A_143 = tpu.memref_slice %arg3[%add3A_75] : memref<800000xi32, #tpu.memory_space<hbm>> -> memref<512xi32, #tpu.memory_space<hbm>>
        tpu.wait_dma2 semaphore(%run_scoped3A : memref<!tpu.dma_semaphore, #tpu.memory_space<semaphore_mem>>) src(%dma_wait3A_143 : memref<512xi32, #tpu.memory_space<hbm>>) dst(%arg5 : memref<512xi32, #tpu.memory_space<vmem>>)
        tpu.yield
      }) : () -> ()
      %dma_start3A_76 = arith.constant 0 : i32
      %dma_start3A_77 = arith.constant 0 : i32
      %dma_start3A_78 = tpu.memref_slice %arg6[%dma_start3A_76, %dma_start3A_77] : memref<512x64xf32, #tpu.memory_space<vmem>> -> memref<128x64xf32, #tpu.memory_space<vmem>>
      %dma_start3A_79 = arith.constant 0 : i32
      %dma_start3A_80 = tpu.memref_slice %arg5[%dma_start3A_79] : memref<512xi32, #tpu.memory_space<vmem>> -> memref<128xi32, #tpu.memory_space<vmem>>
      %dma_start3A_81 = arith.constant 0 : i32
      %dma_start3A_82 = arith.constant 0 : i32
      %dma_start3A_83 = tpu.memref_slice %arg2[%dma_start3A_81, %dma_start3A_82] : memref<50000x64xf32, #tpu.memory_space<hbm>> -> memref<50000x64xf32, #tpu.memory_space<hbm>>
      tpu.enqueue_indirect_dma source(%dma_start3A_83 : memref<50000x64xf32, #tpu.memory_space<hbm>>) target(%dma_start3A_78 : memref<128x64xf32, #tpu.memory_space<vmem>>) offsets(%dma_start3A_80 : memref<128xi32, #tpu.memory_space<vmem>>) semaphore(%arg7 : memref<!tpu.dma_semaphore, #tpu.memory_space<semaphore_mem>>)
      %dma_start3A_84 = arith.constant 128 : i32
      %dma_start3A_85 = arith.constant 0 : i32
      %dma_start3A_86 = tpu.memref_slice %arg6[%dma_start3A_84, %dma_start3A_85] : memref<512x64xf32, #tpu.memory_space<vmem>> -> memref<128x64xf32, #tpu.memory_space<vmem>>
      %dma_start3A_87 = arith.constant 128 : i32
      %dma_start3A_88 = tpu.memref_slice %arg5[%dma_start3A_87] : memref<512xi32, #tpu.memory_space<vmem>> -> memref<128xi32, #tpu.memory_space<vmem>>
      %dma_start3A_89 = arith.constant 0 : i32
      %dma_start3A_90 = arith.constant 0 : i32
      %dma_start3A_91 = tpu.memref_slice %arg2[%dma_start3A_89, %dma_start3A_90] : memref<50000x64xf32, #tpu.memory_space<hbm>> -> memref<50000x64xf32, #tpu.memory_space<hbm>>
      tpu.enqueue_indirect_dma source(%dma_start3A_91 : memref<50000x64xf32, #tpu.memory_space<hbm>>) target(%dma_start3A_86 : memref<128x64xf32, #tpu.memory_space<vmem>>) offsets(%dma_start3A_88 : memref<128xi32, #tpu.memory_space<vmem>>) semaphore(%arg7 : memref<!tpu.dma_semaphore, #tpu.memory_space<semaphore_mem>>)
      %dma_start3A_92 = arith.constant 256 : i32
      %dma_start3A_93 = arith.constant 0 : i32
      %dma_start3A_94 = tpu.memref_slice %arg6[%dma_start3A_92, %dma_start3A_93] : memref<512x64xf32, #tpu.memory_space<vmem>> -> memref<128x64xf32, #tpu.memory_space<vmem>>
      %dma_start3A_95 = arith.constant 256 : i32
      %dma_start3A_96 = tpu.memref_slice %arg5[%dma_start3A_95] : memref<512xi32, #tpu.memory_space<vmem>> -> memref<128xi32, #tpu.memory_space<vmem>>
      %dma_start3A_97 = arith.constant 0 : i32
      %dma_start3A_98 = arith.constant 0 : i32
      %dma_start3A_99 = tpu.memref_slice %arg2[%dma_start3A_97, %dma_start3A_98] : memref<50000x64xf32, #tpu.memory_space<hbm>> -> memref<50000x64xf32, #tpu.memory_space<hbm>>
      tpu.enqueue_indirect_dma source(%dma_start3A_99 : memref<50000x64xf32, #tpu.memory_space<hbm>>) target(%dma_start3A_94 : memref<128x64xf32, #tpu.memory_space<vmem>>) offsets(%dma_start3A_96 : memref<128xi32, #tpu.memory_space<vmem>>) semaphore(%arg7 : memref<!tpu.dma_semaphore, #tpu.memory_space<semaphore_mem>>)
      %dma_start3A_100 = arith.constant 384 : i32
      %dma_start3A_101 = arith.constant 0 : i32
      %dma_start3A_102 = tpu.memref_slice %arg6[%dma_start3A_100, %dma_start3A_101] : memref<512x64xf32, #tpu.memory_space<vmem>> -> memref<128x64xf32, #tpu.memory_space<vmem>>
      %dma_start3A_103 = arith.constant 384 : i32
      %dma_start3A_104 = tpu.memref_slice %arg5[%dma_start3A_103] : memref<512xi32, #tpu.memory_space<vmem>> -> memref<128xi32, #tpu.memory_space<vmem>>
      %dma_start3A_105 = arith.constant 0 : i32
      %dma_start3A_106 = arith.constant 0 : i32
      %dma_start3A_107 = tpu.memref_slice %arg2[%dma_start3A_105, %dma_start3A_106] : memref<50000x64xf32, #tpu.memory_space<hbm>> -> memref<50000x64xf32, #tpu.memory_space<hbm>>
      tpu.enqueue_indirect_dma source(%dma_start3A_107 : memref<50000x64xf32, #tpu.memory_space<hbm>>) target(%dma_start3A_102 : memref<128x64xf32, #tpu.memory_space<vmem>>) offsets(%dma_start3A_104 : memref<128xi32, #tpu.memory_space<vmem>>) semaphore(%arg7 : memref<!tpu.dma_semaphore, #tpu.memory_space<semaphore_mem>>)
      %dma_wait3A_108 = arith.constant 0 : i32
      %dma_wait3A_109 = arith.constant 0 : i32
      %dma_wait3A_110 = tpu.memref_slice %arg6[%dma_wait3A_108, %dma_wait3A_109] : memref<512x64xf32, #tpu.memory_space<vmem>> -> memref<128x64xf32, #tpu.memory_space<vmem>>
      %dma_wait3A_111 = arith.constant 0 : i32
      %dma_wait3A_112 = tpu.memref_slice %arg5[%dma_wait3A_111] : memref<512xi32, #tpu.memory_space<vmem>> -> memref<128xi32, #tpu.memory_space<vmem>>
      %dma_wait3A_113 = arith.constant 0 : i32
      %dma_wait3A_114 = arith.constant 0 : i32
      %dma_wait3A_115 = tpu.memref_slice %arg2[%dma_wait3A_113, %dma_wait3A_114] : memref<50000x64xf32, #tpu.memory_space<hbm>> -> memref<50000x64xf32, #tpu.memory_space<hbm>>
      tpu.wait_indirect_dma semaphore(%arg7 : memref<!tpu.dma_semaphore, #tpu.memory_space<semaphore_mem>>) src(%dma_wait3A_115 : memref<50000x64xf32, #tpu.memory_space<hbm>>) dst(%dma_wait3A_110 : memref<128x64xf32, #tpu.memory_space<vmem>>)
      %dma_wait3A_116 = arith.constant 128 : i32
      %dma_wait3A_117 = arith.constant 0 : i32
      %dma_wait3A_118 = tpu.memref_slice %arg6[%dma_wait3A_116, %dma_wait3A_117] : memref<512x64xf32, #tpu.memory_space<vmem>> -> memref<128x64xf32, #tpu.memory_space<vmem>>
      %dma_wait3A_119 = arith.constant 128 : i32
      %dma_wait3A_120 = tpu.memref_slice %arg5[%dma_wait3A_119] : memref<512xi32, #tpu.memory_space<vmem>> -> memref<128xi32, #tpu.memory_space<vmem>>
      %dma_wait3A_121 = arith.constant 0 : i32
      %dma_wait3A_122 = arith.constant 0 : i32
      %dma_wait3A_123 = tpu.memref_slice %arg2[%dma_wait3A_121, %dma_wait3A_122] : memref<50000x64xf32, #tpu.memory_space<hbm>> -> memref<50000x64xf32, #tpu.memory_space<hbm>>
      tpu.wait_indirect_dma semaphore(%arg7 : memref<!tpu.dma_semaphore, #tpu.memory_space<semaphore_mem>>) src(%dma_wait3A_123 : memref<50000x64xf32, #tpu.memory_space<hbm>>) dst(%dma_wait3A_118 : memref<128x64xf32, #tpu.memory_space<vmem>>)
      %dma_wait3A_124 = arith.constant 256 : i32
      %dma_wait3A_125 = arith.constant 0 : i32
      %dma_wait3A_126 = tpu.memref_slice %arg6[%dma_wait3A_124, %dma_wait3A_125] : memref<512x64xf32, #tpu.memory_space<vmem>> -> memref<128x64xf32, #tpu.memory_space<vmem>>
      %dma_wait3A_127 = arith.constant 256 : i32
      %dma_wait3A_128 = tpu.memref_slice %arg5[%dma_wait3A_127] : memref<512xi32, #tpu.memory_space<vmem>> -> memref<128xi32, #tpu.memory_space<vmem>>
      %dma_wait3A_129 = arith.constant 0 : i32
      %dma_wait3A_130 = arith.constant 0 : i32
      %dma_wait3A_131 = tpu.memref_slice %arg2[%dma_wait3A_129, %dma_wait3A_130] : memref<50000x64xf32, #tpu.memory_space<hbm>> -> memref<50000x64xf32, #tpu.memory_space<hbm>>
      tpu.wait_indirect_dma semaphore(%arg7 : memref<!tpu.dma_semaphore, #tpu.memory_space<semaphore_mem>>) src(%dma_wait3A_131 : memref<50000x64xf32, #tpu.memory_space<hbm>>) dst(%dma_wait3A_126 : memref<128x64xf32, #tpu.memory_space<vmem>>)
      %dma_wait3A_132 = arith.constant 384 : i32
      %dma_wait3A_133 = arith.constant 0 : i32
      %dma_wait3A_134 = tpu.memref_slice %arg6[%dma_wait3A_132, %dma_wait3A_133] : memref<512x64xf32, #tpu.memory_space<vmem>> -> memref<128x64xf32, #tpu.memory_space<vmem>>
      %dma_wait3A_135 = arith.constant 384 : i32
      %dma_wait3A_136 = tpu.memref_slice %arg5[%dma_wait3A_135] : memref<512xi32, #tpu.memory_space<vmem>> -> memref<128xi32, #tpu.memory_space<vmem>>
      %dma_wait3A_137 = arith.constant 0 : i32
      %dma_wait3A_138 = arith.constant 0 : i32
      %dma_wait3A_139 = tpu.memref_slice %arg2[%dma_wait3A_137, %dma_wait3A_138] : memref<50000x64xf32, #tpu.memory_space<hbm>> -> memref<50000x64xf32, #tpu.memory_space<hbm>>
      tpu.wait_indirect_dma semaphore(%arg7 : memref<!tpu.dma_semaphore, #tpu.memory_space<semaphore_mem>>) src(%dma_wait3A_139 : memref<50000x64xf32, #tpu.memory_space<hbm>>) dst(%dma_wait3A_134 : memref<128x64xf32, #tpu.memory_space<vmem>>)
      "tpu.region"() ({
        %run_scoped3A = tpu.sem_alloc : memref<!tpu.dma_semaphore, #tpu.memory_space<semaphore_mem>>
        %dma_start3A_140 = arith.constant 0 : i32
        %dma_start3A_141 = tpu.memref_slice %arg4[%add3A_75, %dma_start3A_140] : memref<800000x64xf32, #tpu.memory_space<hbm>> -> memref<512x64xf32, #tpu.memory_space<hbm>>
        %dma_start3A_142 = arith.constant 0 : i32
        %dma_start3A_143 = tpu.memref_slice %arg4[%add3A_75, %dma_start3A_142] : memref<800000x64xf32, #tpu.memory_space<hbm>> -> memref<512x64xf32, #tpu.memory_space<hbm>>
        tpu.enqueue_dma source(%arg6 : memref<512x64xf32, #tpu.memory_space<vmem>>) target(%dma_start3A_143 : memref<512x64xf32, #tpu.memory_space<hbm>>) target_semaphore(%run_scoped3A : memref<!tpu.dma_semaphore, #tpu.memory_space<semaphore_mem>>)
        %dma_wait3A_144 = arith.constant 0 : i32
        %dma_wait3A_145 = tpu.memref_slice %arg4[%add3A_75, %dma_wait3A_144] : memref<800000x64xf32, #tpu.memory_space<hbm>> -> memref<512x64xf32, #tpu.memory_space<hbm>>
        %dma_wait3A_146 = arith.constant 0 : i32
        %dma_wait3A_147 = tpu.memref_slice %arg4[%add3A_75, %dma_wait3A_146] : memref<800000x64xf32, #tpu.memory_space<hbm>> -> memref<512x64xf32, #tpu.memory_space<hbm>>
        tpu.wait_dma2 semaphore(%run_scoped3A : memref<!tpu.dma_semaphore, #tpu.memory_space<semaphore_mem>>) src(%arg6 : memref<512x64xf32, #tpu.memory_space<vmem>>) dst(%dma_wait3A_147 : memref<512x64xf32, #tpu.memory_space<hbm>>)
        tpu.yield
      }) : () -> ()
    }
    %scan3A_7 = arith.constant 48 : i32
    %add3A_8 = arith.constant 24576 : i32
    %add3A_9 = arith.addi %mul3A_2, %add3A_8 : i32
    "tpu.region"() ({
      %run_scoped3A = tpu.sem_alloc : memref<!tpu.dma_semaphore, #tpu.memory_space<semaphore_mem>>
      %dma_start3A_72 = arith.constant 0 : i32
      %dma_start3A_73 = tpu.memref_slice %arg5[%dma_start3A_72] : memref<512xi32, #tpu.memory_space<vmem>> -> memref<424xi32, #tpu.memory_space<vmem>>
      %dma_start3A_74 = tpu.memref_slice %arg3[%add3A_9] : memref<800000xi32, #tpu.memory_space<hbm>> -> memref<424xi32, #tpu.memory_space<hbm>>
      %dma_start3A_75 = arith.constant 0 : i32
      %dma_start3A_76 = tpu.memref_slice %arg5[%dma_start3A_75] : memref<512xi32, #tpu.memory_space<vmem>> -> memref<424xi32, #tpu.memory_space<vmem>>
      %dma_start3A_77 = tpu.memref_slice %arg3[%add3A_9] : memref<800000xi32, #tpu.memory_space<hbm>> -> memref<424xi32, #tpu.memory_space<hbm>>
      tpu.enqueue_dma source(%dma_start3A_77 : memref<424xi32, #tpu.memory_space<hbm>>) target(%dma_start3A_76 : memref<424xi32, #tpu.memory_space<vmem>>) target_semaphore(%run_scoped3A : memref<!tpu.dma_semaphore, #tpu.memory_space<semaphore_mem>>)
      %dma_wait3A_78 = arith.constant 0 : i32
      %dma_wait3A_79 = tpu.memref_slice %arg5[%dma_wait3A_78] : memref<512xi32, #tpu.memory_space<vmem>> -> memref<424xi32, #tpu.memory_space<vmem>>
      %dma_wait3A_80 = tpu.memref_slice %arg3[%add3A_9] : memref<800000xi32, #tpu.memory_space<hbm>> -> memref<424xi32, #tpu.memory_space<hbm>>
      %dma_wait3A_81 = arith.constant 0 : i32
      %dma_wait3A_82 = tpu.memref_slice %arg5[%dma_wait3A_81] : memref<512xi32, #tpu.memory_space<vmem>> -> memref<424xi32, #tpu.memory_space<vmem>>
      %dma_wait3A_83 = tpu.memref_slice %arg3[%add3A_9] : memref<800000xi32, #tpu.memory_space<hbm>> -> memref<424xi32, #tpu.memory_space<hbm>>
      tpu.wait_dma2 semaphore(%run_scoped3A : memref<!tpu.dma_semaphore, #tpu.memory_space<semaphore_mem>>) src(%dma_wait3A_83 : memref<424xi32, #tpu.memory_space<hbm>>) dst(%dma_wait3A_82 : memref<424xi32, #tpu.memory_space<vmem>>)
      tpu.yield
    }) : () -> ()
    %dma_start3A = arith.constant 0 : i32
    %dma_start3A_10 = arith.constant 0 : i32
    %dma_start3A_11 = tpu.memref_slice %arg6[%dma_start3A, %dma_start3A_10] : memref<512x64xf32, #tpu.memory_space<vmem>> -> memref<128x64xf32, #tpu.memory_space<vmem>>
    %dma_start3A_12 = arith.constant 0 : i32
    %dma_start3A_13 = tpu.memref_slice %arg5[%dma_start3A_12] : memref<512xi32, #tpu.memory_space<vmem>> -> memref<128xi32, #tpu.memory_space<vmem>>
    %dma_start3A_14 = arith.constant 0 : i32
    %dma_start3A_15 = arith.constant 0 : i32
    %dma_start3A_16 = tpu.memref_slice %arg2[%dma_start3A_14, %dma_start3A_15] : memref<50000x64xf32, #tpu.memory_space<hbm>> -> memref<50000x64xf32, #tpu.memory_space<hbm>>
    tpu.enqueue_indirect_dma source(%dma_start3A_16 : memref<50000x64xf32, #tpu.memory_space<hbm>>) target(%dma_start3A_11 : memref<128x64xf32, #tpu.memory_space<vmem>>) offsets(%dma_start3A_13 : memref<128xi32, #tpu.memory_space<vmem>>) semaphore(%arg7 : memref<!tpu.dma_semaphore, #tpu.memory_space<semaphore_mem>>)
    %dma_start3A_17 = arith.constant 128 : i32
    %dma_start3A_18 = arith.constant 0 : i32
    %dma_start3A_19 = tpu.memref_slice %arg6[%dma_start3A_17, %dma_start3A_18] : memref<512x64xf32, #tpu.memory_space<vmem>> -> memref<128x64xf32, #tpu.memory_space<vmem>>
    %dma_start3A_20 = arith.constant 128 : i32
    %dma_start3A_21 = tpu.memref_slice %arg5[%dma_start3A_20] : memref<512xi32, #tpu.memory_space<vmem>> -> memref<128xi32, #tpu.memory_space<vmem>>
    %dma_start3A_22 = arith.constant 0 : i32
    %dma_start3A_23 = arith.constant 0 : i32
    %dma_start3A_24 = tpu.memref_slice %arg2[%dma_start3A_22, %dma_start3A_23] : memref<50000x64xf32, #tpu.memory_space<hbm>> -> memref<50000x64xf32, #tpu.memory_space<hbm>>
    tpu.enqueue_indirect_dma source(%dma_start3A_24 : memref<50000x64xf32, #tpu.memory_space<hbm>>) target(%dma_start3A_19 : memref<128x64xf32, #tpu.memory_space<vmem>>) offsets(%dma_start3A_21 : memref<128xi32, #tpu.memory_space<vmem>>) semaphore(%arg7 : memref<!tpu.dma_semaphore, #tpu.memory_space<semaphore_mem>>)
    %dma_start3A_25 = arith.constant 256 : i32
    %dma_start3A_26 = arith.constant 0 : i32
    %dma_start3A_27 = tpu.memref_slice %arg6[%dma_start3A_25, %dma_start3A_26] : memref<512x64xf32, #tpu.memory_space<vmem>> -> memref<128x64xf32, #tpu.memory_space<vmem>>
    %dma_start3A_28 = arith.constant 256 : i32
    %dma_start3A_29 = tpu.memref_slice %arg5[%dma_start3A_28] : memref<512xi32, #tpu.memory_space<vmem>> -> memref<128xi32, #tpu.memory_space<vmem>>
    %dma_start3A_30 = arith.constant 0 : i32
    %dma_start3A_31 = arith.constant 0 : i32
    %dma_start3A_32 = tpu.memref_slice %arg2[%dma_start3A_30, %dma_start3A_31] : memref<50000x64xf32, #tpu.memory_space<hbm>> -> memref<50000x64xf32, #tpu.memory_space<hbm>>
    tpu.enqueue_indirect_dma source(%dma_start3A_32 : memref<50000x64xf32, #tpu.memory_space<hbm>>) target(%dma_start3A_27 : memref<128x64xf32, #tpu.memory_space<vmem>>) offsets(%dma_start3A_29 : memref<128xi32, #tpu.memory_space<vmem>>) semaphore(%arg7 : memref<!tpu.dma_semaphore, #tpu.memory_space<semaphore_mem>>)
    %dma_start3A_33 = arith.constant 384 : i32
    %dma_start3A_34 = arith.constant 0 : i32
    %dma_start3A_35 = tpu.memref_slice %arg6[%dma_start3A_33, %dma_start3A_34] : memref<512x64xf32, #tpu.memory_space<vmem>> -> memref<40x64xf32, #tpu.memory_space<vmem>>
    %dma_start3A_36 = arith.constant 384 : i32
    %dma_start3A_37 = tpu.memref_slice %arg5[%dma_start3A_36] : memref<512xi32, #tpu.memory_space<vmem>> -> memref<40xi32, #tpu.memory_space<vmem>>
    %dma_start3A_38 = arith.constant 0 : i32
    %dma_start3A_39 = arith.constant 0 : i32
    %dma_start3A_40 = tpu.memref_slice %arg2[%dma_start3A_38, %dma_start3A_39] : memref<50000x64xf32, #tpu.memory_space<hbm>> -> memref<50000x64xf32, #tpu.memory_space<hbm>>
    tpu.enqueue_indirect_dma source(%dma_start3A_40 : memref<50000x64xf32, #tpu.memory_space<hbm>>) target(%dma_start3A_35 : memref<40x64xf32, #tpu.memory_space<vmem>>) offsets(%dma_start3A_37 : memref<40xi32, #tpu.memory_space<vmem>>) semaphore(%arg7 : memref<!tpu.dma_semaphore, #tpu.memory_space<semaphore_mem>>)
    %dma_wait3A = arith.constant 0 : i32
    %dma_wait3A_41 = arith.constant 0 : i32
    %dma_wait3A_42 = tpu.memref_slice %arg6[%dma_wait3A, %dma_wait3A_41] : memref<512x64xf32, #tpu.memory_space<vmem>> -> memref<128x64xf32, #tpu.memory_space<vmem>>
    %dma_wait3A_43 = arith.constant 0 : i32
    %dma_wait3A_44 = tpu.memref_slice %arg5[%dma_wait3A_43] : memref<512xi32, #tpu.memory_space<vmem>> -> memref<128xi32, #tpu.memory_space<vmem>>
    %dma_wait3A_45 = arith.constant 0 : i32
    %dma_wait3A_46 = arith.constant 0 : i32
    %dma_wait3A_47 = tpu.memref_slice %arg2[%dma_wait3A_45, %dma_wait3A_46] : memref<50000x64xf32, #tpu.memory_space<hbm>> -> memref<50000x64xf32, #tpu.memory_space<hbm>>
    tpu.wait_indirect_dma semaphore(%arg7 : memref<!tpu.dma_semaphore, #tpu.memory_space<semaphore_mem>>) src(%dma_wait3A_47 : memref<50000x64xf32, #tpu.memory_space<hbm>>) dst(%dma_wait3A_42 : memref<128x64xf32, #tpu.memory_space<vmem>>)
    %dma_wait3A_48 = arith.constant 128 : i32
    %dma_wait3A_49 = arith.constant 0 : i32
    %dma_wait3A_50 = tpu.memref_slice %arg6[%dma_wait3A_48, %dma_wait3A_49] : memref<512x64xf32, #tpu.memory_space<vmem>> -> memref<128x64xf32, #tpu.memory_space<vmem>>
    %dma_wait3A_51 = arith.constant 128 : i32
    %dma_wait3A_52 = tpu.memref_slice %arg5[%dma_wait3A_51] : memref<512xi32, #tpu.memory_space<vmem>> -> memref<128xi32, #tpu.memory_space<vmem>>
    %dma_wait3A_53 = arith.constant 0 : i32
    %dma_wait3A_54 = arith.constant 0 : i32
    %dma_wait3A_55 = tpu.memref_slice %arg2[%dma_wait3A_53, %dma_wait3A_54] : memref<50000x64xf32, #tpu.memory_space<hbm>> -> memref<50000x64xf32, #tpu.memory_space<hbm>>
    tpu.wait_indirect_dma semaphore(%arg7 : memref<!tpu.dma_semaphore, #tpu.memory_space<semaphore_mem>>) src(%dma_wait3A_55 : memref<50000x64xf32, #tpu.memory_space<hbm>>) dst(%dma_wait3A_50 : memref<128x64xf32, #tpu.memory_space<vmem>>)
    %dma_wait3A_56 = arith.constant 256 : i32
    %dma_wait3A_57 = arith.constant 0 : i32
    %dma_wait3A_58 = tpu.memref_slice %arg6[%dma_wait3A_56, %dma_wait3A_57] : memref<512x64xf32, #tpu.memory_space<vmem>> -> memref<128x64xf32, #tpu.memory_space<vmem>>
    %dma_wait3A_59 = arith.constant 256 : i32
    %dma_wait3A_60 = tpu.memref_slice %arg5[%dma_wait3A_59] : memref<512xi32, #tpu.memory_space<vmem>> -> memref<128xi32, #tpu.memory_space<vmem>>
    %dma_wait3A_61 = arith.constant 0 : i32
    %dma_wait3A_62 = arith.constant 0 : i32
    %dma_wait3A_63 = tpu.memref_slice %arg2[%dma_wait3A_61, %dma_wait3A_62] : memref<50000x64xf32, #tpu.memory_space<hbm>> -> memref<50000x64xf32, #tpu.memory_space<hbm>>
    tpu.wait_indirect_dma semaphore(%arg7 : memref<!tpu.dma_semaphore, #tpu.memory_space<semaphore_mem>>) src(%dma_wait3A_63 : memref<50000x64xf32, #tpu.memory_space<hbm>>) dst(%dma_wait3A_58 : memref<128x64xf32, #tpu.memory_space<vmem>>)
    %dma_wait3A_64 = arith.constant 384 : i32
    %dma_wait3A_65 = arith.constant 0 : i32
    %dma_wait3A_66 = tpu.memref_slice %arg6[%dma_wait3A_64, %dma_wait3A_65] : memref<512x64xf32, #tpu.memory_space<vmem>> -> memref<40x64xf32, #tpu.memory_space<vmem>>
    %dma_wait3A_67 = arith.constant 384 : i32
    %dma_wait3A_68 = tpu.memref_slice %arg5[%dma_wait3A_67] : memref<512xi32, #tpu.memory_space<vmem>> -> memref<40xi32, #tpu.memory_space<vmem>>
    %dma_wait3A_69 = arith.constant 0 : i32
    %dma_wait3A_70 = arith.constant 0 : i32
    %dma_wait3A_71 = tpu.memref_slice %arg2[%dma_wait3A_69, %dma_wait3A_70] : memref<50000x64xf32, #tpu.memory_space<hbm>> -> memref<50000x64xf32, #tpu.memory_space<hbm>>
    tpu.wait_indirect_dma semaphore(%arg7 : memref<!tpu.dma_semaphore, #tpu.memory_space<semaphore_mem>>) src(%dma_wait3A_71 : memref<50000x64xf32, #tpu.memory_space<hbm>>) dst(%dma_wait3A_66 : memref<40x64xf32, #tpu.memory_space<vmem>>)
    "tpu.region"() ({
      %run_scoped3A = tpu.sem_alloc : memref<!tpu.dma_semaphore, #tpu.memory_space<semaphore_mem>>
      %dma_start3A_72 = arith.constant 0 : i32
      %dma_start3A_73 = arith.constant 0 : i32
      %dma_start3A_74 = tpu.memref_slice %arg6[%dma_start3A_72, %dma_start3A_73] : memref<512x64xf32, #tpu.memory_space<vmem>> -> memref<424x64xf32, #tpu.memory_space<vmem>>
      %dma_start3A_75 = arith.constant 0 : i32
      %dma_start3A_76 = tpu.memref_slice %arg4[%add3A_9, %dma_start3A_75] : memref<800000x64xf32, #tpu.memory_space<hbm>> -> memref<424x64xf32, #tpu.memory_space<hbm>>
      %dma_start3A_77 = arith.constant 0 : i32
      %dma_start3A_78 = tpu.memref_slice %arg4[%add3A_9, %dma_start3A_77] : memref<800000x64xf32, #tpu.memory_space<hbm>> -> memref<424x64xf32, #tpu.memory_space<hbm>>
      %dma_start3A_79 = arith.constant 0 : i32
      %dma_start3A_80 = arith.constant 0 : i32
      %dma_start3A_81 = tpu.memref_slice %arg6[%dma_start3A_79, %dma_start3A_80] : memref<512x64xf32, #tpu.memory_space<vmem>> -> memref<424x64xf32, #tpu.memory_space<vmem>>
      tpu.enqueue_dma source(%dma_start3A_81 : memref<424x64xf32, #tpu.memory_space<vmem>>) target(%dma_start3A_78 : memref<424x64xf32, #tpu.memory_space<hbm>>) target_semaphore(%run_scoped3A : memref<!tpu.dma_semaphore, #tpu.memory_space<semaphore_mem>>)
      %dma_wait3A_82 = arith.constant 0 : i32
      %dma_wait3A_83 = arith.constant 0 : i32
      %dma_wait3A_84 = tpu.memref_slice %arg6[%dma_wait3A_82, %dma_wait3A_83] : memref<512x64xf32, #tpu.memory_space<vmem>> -> memref<424x64xf32, #tpu.memory_space<vmem>>
      %dma_wait3A_85 = arith.constant 0 : i32
      %dma_wait3A_86 = tpu.memref_slice %arg4[%add3A_9, %dma_wait3A_85] : memref<800000x64xf32, #tpu.memory_space<hbm>> -> memref<424x64xf32, #tpu.memory_space<hbm>>
      %dma_wait3A_87 = arith.constant 0 : i32
      %dma_wait3A_88 = tpu.memref_slice %arg4[%add3A_9, %dma_wait3A_87] : memref<800000x64xf32, #tpu.memory_space<hbm>> -> memref<424x64xf32, #tpu.memory_space<hbm>>
      %dma_wait3A_89 = arith.constant 0 : i32
      %dma_wait3A_90 = arith.constant 0 : i32
      %dma_wait3A_91 = tpu.memref_slice %arg6[%dma_wait3A_89, %dma_wait3A_90] : memref<512x64xf32, #tpu.memory_space<vmem>> -> memref<424x64xf32, #tpu.memory_space<vmem>>
      tpu.wait_dma2 semaphore(%run_scoped3A : memref<!tpu.dma_semaphore, #tpu.memory_space<semaphore_mem>>) src(%dma_wait3A_91 : memref<424x64xf32, #tpu.memory_space<vmem>>) dst(%dma_wait3A_88 : memref<424x64xf32, #tpu.memory_space<hbm>>)
      tpu.yield
    }) : () -> ()
    return
  }
}

#map = affine_map<(d0, d1) -> (0, 0)>
#map1 = affine_map<(d0, d1) -> (0, 0, 0)>
module attributes {stable_mosaic.version = 14 : i64} {
  func.func @scatter_k(%arg0: i32, %arg1: i32, %arg2: memref<6250x128xi32, #tpu.memory_space<hbm>>, %arg3: memref<2x800000x32xf32, #tpu.memory_space<hbm>>, %arg4: memref<2x50176x32xf32, #tpu.memory_space<hbm>>, %arg5: memref<4x128xi32, #tpu.memory_space<vmem>>, %arg6: memref<512x32xf32, #tpu.memory_space<vmem>>, %arg7: memref<64x32xf32, #tpu.memory_space<vmem>>, %arg8: memref<50176x32xf32, #tpu.memory_space<vmem_shared>>) attributes {dimension_semantics = [#tpu.dimension_semantics<core_parallel>, #tpu.dimension_semantics<subcore_parallel>], iteration_bounds = array<i64: 2, 16>, scalar_prefetch = 0 : i64, scratch_operands = 4 : i64, tpu.core_type = #tpu.core_type<sc_vector_subcore>, window_params = [{transform_indices = #map}, {transform_indices = #map1}, {transform_indices = #map1}]} {
    %scan3A = arith.constant 0 : i32
    %scan3A_0 = arith.constant 0 : i32
    %scan3A_1 = arith.constant 64 : i32
    %scan3A_2 = arith.addi %scan3A_0, %scan3A_1 : i32
    %scan3A_3 = arith.constant 1 : i32
    scf.for %scan3A_30 = %scan3A_0 to %scan3A_2 step %scan3A_3  : i32 {
      %broadcast_in_dim3A = arith.constant 0.000000e+00 : f32
      %broadcast_in_dim3A_31 = vector.broadcast %broadcast_in_dim3A : f32 to vector<16xf32>
      %swap3A = arith.index_cast %scan3A_30 : i32 to index
      %swap3A_32 = arith.constant 0 : index
      %swap3A_33 = tpu.vector_load %arg7[%swap3A, %swap3A_32] {strides = array<i32>} : memref<64x32xf32, #tpu.memory_space<vmem>>, vector<1x16xf32>,
      %swap3A_34 = vector.shape_cast %swap3A_33 : vector<1x16xf32> to vector<16xf32>
      %swap3A_35 = vector.shape_cast %broadcast_in_dim3A_31 : vector<16xf32> to vector<1x16xf32>
      tpu.vector_store %arg7[%swap3A, %swap3A_32], %swap3A_35 {strides = array<i32>} : memref<64x32xf32, #tpu.memory_space<vmem>>, vector<1x16xf32>,
      %broadcast_in_dim3A_36 = arith.constant 0.000000e+00 : f32
      %broadcast_in_dim3A_37 = vector.broadcast %broadcast_in_dim3A_36 : f32 to vector<16xf32>
      %swap3A_38 = arith.index_cast %scan3A_30 : i32 to index
      %swap3A_39 = arith.constant 16 : index
      %swap3A_40 = tpu.vector_load %arg7[%swap3A_38, %swap3A_39] {strides = array<i32>} : memref<64x32xf32, #tpu.memory_space<vmem>>, vector<1x16xf32>,
      %swap3A_41 = vector.shape_cast %swap3A_40 : vector<1x16xf32> to vector<16xf32>
      %swap3A_42 = vector.shape_cast %broadcast_in_dim3A_37 : vector<16xf32> to vector<1x16xf32>
      tpu.vector_store %arg7[%swap3A_38, %swap3A_39], %swap3A_42 {strides = array<i32>} : memref<64x32xf32, #tpu.memory_space<vmem>>, vector<1x16xf32>,
    }
    %scan3A_4 = arith.constant 64 : i32
    %scan3A_5 = arith.constant 0 : i32
    %scan3A_6 = arith.constant 0 : i32
    %scan3A_7 = arith.constant 49 : i32
    %scan3A_8 = arith.addi %scan3A_6, %scan3A_7 : i32
    %scan3A_9 = arith.constant 1 : i32
    scf.for %scan3A_30 = %scan3A_6 to %scan3A_8 step %scan3A_9  : i32 {
      %mul3A_31 = arith.constant 3136 : i32
      %mul3A_32 = arith.muli %arg1, %mul3A_31 : i32
      %mul3A_33 = arith.constant 64 : i32
      %mul3A_34 = arith.muli %scan3A_30, %mul3A_33 : i32
      %add3A_35 = arith.addi %mul3A_32, %mul3A_34 : i32
      "tpu.region"() ({
        %run_scoped3A = tpu.sem_alloc : memref<!tpu.dma_semaphore, #tpu.memory_space<semaphore_mem>>
        %dma_start3A = arith.constant 0 : i32
        %dma_start3A_36 = tpu.memref_slice %arg8[%add3A_35, %dma_start3A] : memref<50176x32xf32, #tpu.memory_space<vmem_shared>> -> memref<64x32xf32, #tpu.memory_space<vmem_shared>>
        %dma_start3A_37 = arith.constant 0 : i32
        %dma_start3A_38 = tpu.memref_slice %arg8[%add3A_35, %dma_start3A_37] : memref<50176x32xf32, #tpu.memory_space<vmem_shared>> -> memref<64x32xf32, #tpu.memory_space<vmem_shared>>
        tpu.enqueue_dma source(%arg7 : memref<64x32xf32, #tpu.memory_space<vmem>>) target(%dma_start3A_38 : memref<64x32xf32, #tpu.memory_space<vmem_shared>>) target_semaphore(%run_scoped3A : memref<!tpu.dma_semaphore, #tpu.memory_space<semaphore_mem>>)
        %dma_wait3A = arith.constant 0 : i32
        %dma_wait3A_39 = tpu.memref_slice %arg8[%add3A_35, %dma_wait3A] : memref<50176x32xf32, #tpu.memory_space<vmem_shared>> -> memref<64x32xf32, #tpu.memory_space<vmem_shared>>
        %dma_wait3A_40 = arith.constant 0 : i32
        %dma_wait3A_41 = tpu.memref_slice %arg8[%add3A_35, %dma_wait3A_40] : memref<50176x32xf32, #tpu.memory_space<vmem_shared>> -> memref<64x32xf32, #tpu.memory_space<vmem_shared>>
        tpu.wait_dma2 semaphore(%run_scoped3A : memref<!tpu.dma_semaphore, #tpu.memory_space<semaphore_mem>>) src(%arg7 : memref<64x32xf32, #tpu.memory_space<vmem>>) dst(%dma_wait3A_41 : memref<64x32xf32, #tpu.memory_space<vmem_shared>>)
        tpu.yield
      }) : () -> ()
    }
    %scan3A_10 = arith.constant 49 : i32
    %barrier3A = arith.constant 0 : index
    tpu.barrier barrier_id(%barrier3A)
    %mul3A = arith.constant 390 : i32
    %mul3A_11 = arith.muli %arg1, %mul3A : i32
    %min3A = arith.constant 10 : i32
    %min3A_12 = arith.minsi %arg1, %min3A : i32
    %add3A = arith.addi %mul3A_11, %min3A_12 : i32
    %scan3A_13 = arith.constant 0 : i32
    %scan3A_14 = arith.constant 0 : i32
    %scan3A_15 = arith.constant 97 : i32
    %scan3A_16 = arith.addi %scan3A_14, %scan3A_15 : i32
    %scan3A_17 = arith.constant 1 : i32
    scf.for %scan3A_30 = %scan3A_14 to %scan3A_16 step %scan3A_17  : i32 {
      %mul3A_31 = arith.constant 4 : i32
      %mul3A_32 = arith.muli %scan3A_30, %mul3A_31 : i32
      %add3A_33 = arith.addi %add3A, %mul3A_32 : i32
      "tpu.region"() ({
        %run_scoped3A_39 = tpu.sem_alloc : memref<!tpu.dma_semaphore, #tpu.memory_space<semaphore_mem>>
        %dma_start3A = arith.constant 0 : i32
        %dma_start3A_40 = arith.constant 0 : i32
        %dma_start3A_41 = tpu.memref_slice %arg5[%dma_start3A, %dma_start3A_40] : memref<4x128xi32, #tpu.memory_space<vmem>> -> memref<4x128xi32, #tpu.memory_space<vmem>>
        %dma_start3A_42 = arith.constant 0 : i32
        %dma_start3A_43 = tpu.memref_slice %arg2[%add3A_33, %dma_start3A_42] : memref<6250x128xi32, #tpu.memory_space<hbm>> -> memref<4x128xi32, #tpu.memory_space<hbm>>
        %dma_start3A_44 = arith.constant 0 : i32
        %dma_start3A_45 = arith.constant 0 : i32
        %dma_start3A_46 = tpu.memref_slice %arg5[%dma_start3A_44, %dma_start3A_45] : memref<4x128xi32, #tpu.memory_space<vmem>> -> memref<4x128xi32, #tpu.memory_space<vmem>>
        %dma_start3A_47 = arith.constant 0 : i32
        %dma_start3A_48 = tpu.memref_slice %arg2[%add3A_33, %dma_start3A_47] : memref<6250x128xi32, #tpu.memory_space<hbm>> -> memref<4x128xi32, #tpu.memory_space<hbm>>
        tpu.enqueue_dma source(%dma_start3A_48 : memref<4x128xi32, #tpu.memory_space<hbm>>) target(%dma_start3A_46 : memref<4x128xi32, #tpu.memory_space<vmem>>) target_semaphore(%run_scoped3A_39 : memref<!tpu.dma_semaphore, #tpu.memory_space<semaphore_mem>>)
        %dma_wait3A = arith.constant 0 : i32
        %dma_wait3A_49 = arith.constant 0 : i32
        %dma_wait3A_50 = tpu.memref_slice %arg5[%dma_wait3A, %dma_wait3A_49] : memref<4x128xi32, #tpu.memory_space<vmem>> -> memref<4x128xi32, #tpu.memory_space<vmem>>
        %dma_wait3A_51 = arith.constant 0 : i32
        %dma_wait3A_52 = tpu.memref_slice %arg2[%add3A_33, %dma_wait3A_51] : memref<6250x128xi32, #tpu.memory_space<hbm>> -> memref<4x128xi32, #tpu.memory_space<hbm>>
        %dma_wait3A_53 = arith.constant 0 : i32
        %dma_wait3A_54 = arith.constant 0 : i32
        %dma_wait3A_55 = tpu.memref_slice %arg5[%dma_wait3A_53, %dma_wait3A_54] : memref<4x128xi32, #tpu.memory_space<vmem>> -> memref<4x128xi32, #tpu.memory_space<vmem>>
        %dma_wait3A_56 = arith.constant 0 : i32
        %dma_wait3A_57 = tpu.memref_slice %arg2[%add3A_33, %dma_wait3A_56] : memref<6250x128xi32, #tpu.memory_space<hbm>> -> memref<4x128xi32, #tpu.memory_space<hbm>>
        tpu.wait_dma2 semaphore(%run_scoped3A_39 : memref<!tpu.dma_semaphore, #tpu.memory_space<semaphore_mem>>) src(%dma_wait3A_57 : memref<4x128xi32, #tpu.memory_space<hbm>>) dst(%dma_wait3A_55 : memref<4x128xi32, #tpu.memory_space<vmem>>)
        tpu.yield
      }) : () -> ()
      %mul3A_34 = arith.constant 128 : i32
      %mul3A_35 = arith.muli %add3A_33, %mul3A_34 : i32
      "tpu.region"() ({
        %run_scoped3A_39 = tpu.sem_alloc : memref<!tpu.dma_semaphore, #tpu.memory_space<semaphore_mem>>
        %dma_start3A = arith.constant 0 : i32
        %dma_start3A_40 = arith.constant 0 : i32
        %dma_start3A_41 = tpu.memref_slice %arg6[%dma_start3A, %dma_start3A_40] : memref<512x32xf32, #tpu.memory_space<vmem>> -> memref<512x32xf32, #tpu.memory_space<vmem>>
        %dma_start3A_42 = arith.constant 0 : i32
        %dma_start3A_43 = arith.constant 0 : i32
        %dma_start3A_44 = tpu.memref_slice %arg3[%arg0, %dma_start3A_42, %dma_start3A_43] : memref<2x800000x32xf32, #tpu.memory_space<hbm>> -> memref<1x800000x32xf32, #tpu.memory_space<hbm>>
        %dma_start3A_45 = tpu.memref_squeeze %dma_start3A_44 : memref<1x800000x32xf32, #tpu.memory_space<hbm>> -> memref<800000x32xf32, #tpu.memory_space<hbm>>
        %dma_start3A_46 = arith.constant 0 : i32
        %dma_start3A_47 = tpu.memref_slice %dma_start3A_45[%mul3A_35, %dma_start3A_46] : memref<800000x32xf32, #tpu.memory_space<hbm>> -> memref<512x32xf32, #tpu.memory_space<hbm>>
        %dma_start3A_48 = arith.constant 0 : i32
        %dma_start3A_49 = arith.constant 0 : i32
        %dma_start3A_50 = tpu.memref_slice %arg6[%dma_start3A_48, %dma_start3A_49] : memref<512x32xf32, #tpu.memory_space<vmem>> -> memref<512x32xf32, #tpu.memory_space<vmem>>
        %dma_start3A_51 = arith.constant 0 : i32
        %dma_start3A_52 = arith.constant 0 : i32
        %dma_start3A_53 = tpu.memref_slice %arg3[%arg0, %dma_start3A_51, %dma_start3A_52] : memref<2x800000x32xf32, #tpu.memory_space<hbm>> -> memref<1x800000x32xf32, #tpu.memory_space<hbm>>
        %dma_start3A_54 = tpu.memref_squeeze %dma_start3A_53 : memref<1x800000x32xf32, #tpu.memory_space<hbm>> -> memref<800000x32xf32, #tpu.memory_space<hbm>>
        %dma_start3A_55 = arith.constant 0 : i32
        %dma_start3A_56 = tpu.memref_slice %dma_start3A_54[%mul3A_35, %dma_start3A_55] : memref<800000x32xf32, #tpu.memory_space<hbm>> -> memref<512x32xf32, #tpu.memory_space<hbm>>
        tpu.enqueue_dma source(%dma_start3A_56 : memref<512x32xf32, #tpu.memory_space<hbm>>) target(%dma_start3A_50 : memref<512x32xf32, #tpu.memory_space<vmem>>) target_semaphore(%run_scoped3A_39 : memref<!tpu.dma_semaphore, #tpu.memory_space<semaphore_mem>>)
        %dma_wait3A = arith.constant 0 : i32
        %dma_wait3A_57 = arith.constant 0 : i32
        %dma_wait3A_58 = tpu.memref_slice %arg6[%dma_wait3A, %dma_wait3A_57] : memref<512x32xf32, #tpu.memory_space<vmem>> -> memref<512x32xf32, #tpu.memory_space<vmem>>
        %dma_wait3A_59 = arith.constant 0 : i32
        %dma_wait3A_60 = arith.constant 0 : i32
        %dma_wait3A_61 = tpu.memref_slice %arg3[%arg0, %dma_wait3A_59, %dma_wait3A_60] : memref<2x800000x32xf32, #tpu.memory_space<hbm>> -> memref<1x800000x32xf32, #tpu.memory_space<hbm>>
        %dma_wait3A_62 = tpu.memref_squeeze %dma_wait3A_61 : memref<1x800000x32xf32, #tpu.memory_space<hbm>> -> memref<800000x32xf32, #tpu.memory_space<hbm>>
        %dma_wait3A_63 = arith.constant 0 : i32
        %dma_wait3A_64 = tpu.memref_slice %dma_wait3A_62[%mul3A_35, %dma_wait3A_63] : memref<800000x32xf32, #tpu.memory_space<hbm>> -> memref<512x32xf32, #tpu.memory_space<hbm>>
        %dma_wait3A_65 = arith.constant 0 : i32
        %dma_wait3A_66 = arith.constant 0 : i32
        %dma_wait3A_67 = tpu.memref_slice %arg6[%dma_wait3A_65, %dma_wait3A_66] : memref<512x32xf32, #tpu.memory_space<vmem>> -> memref<512x32xf32, #tpu.memory_space<vmem>>
        %dma_wait3A_68 = arith.constant 0 : i32
        %dma_wait3A_69 = arith.constant 0 : i32
        %dma_wait3A_70 = tpu.memref_slice %arg3[%arg0, %dma_wait3A_68, %dma_wait3A_69] : memref<2x800000x32xf32, #tpu.memory_space<hbm>> -> memref<1x800000x32xf32, #tpu.memory_space<hbm>>
        %dma_wait3A_71 = tpu.memref_squeeze %dma_wait3A_70 : memref<1x800000x32xf32, #tpu.memory_space<hbm>> -> memref<800000x32xf32, #tpu.memory_space<hbm>>
        %dma_wait3A_72 = arith.constant 0 : i32
        %dma_wait3A_73 = tpu.memref_slice %dma_wait3A_71[%mul3A_35, %dma_wait3A_72] : memref<800000x32xf32, #tpu.memory_space<hbm>> -> memref<512x32xf32, #tpu.memory_space<hbm>>
        tpu.wait_dma2 semaphore(%run_scoped3A_39 : memref<!tpu.dma_semaphore, #tpu.memory_space<semaphore_mem>>) src(%dma_wait3A_73 : memref<512x32xf32, #tpu.memory_space<hbm>>) dst(%dma_wait3A_67 : memref<512x32xf32, #tpu.memory_space<vmem>>)
        tpu.yield
      }) : () -> ()
      %run_scoped3A = arith.constant 0 : i32
      "tpu.region"() ({
        %run_scoped3A_39 = tpu.sem_alloc : memref<!tpu.dma_semaphore, #tpu.memory_space<semaphore_mem>>
        %dma_start3A = arith.constant 0 : i32
        %dma_start3A_40 = arith.constant 0 : i32
        %dma_start3A_41 = tpu.memref_slice %arg6[%dma_start3A, %dma_start3A_40] : memref<512x32xf32, #tpu.memory_space<vmem>> -> memref<128x32xf32, #tpu.memory_space<vmem>>
        %dma_start3A_42 = arith.constant 0 : i32
        %dma_start3A_43 = tpu.memref_slice %arg5[%run_scoped3A, %dma_start3A_42] : memref<4x128xi32, #tpu.memory_space<vmem>> -> memref<1x128xi32, #tpu.memory_space<vmem>>
        %dma_start3A_44 = tpu.memref_squeeze %dma_start3A_43 : memref<1x128xi32, #tpu.memory_space<vmem>> -> memref<128xi32, #tpu.memory_space<vmem>>
        %dma_start3A_45 = arith.constant 0 : i32
        %dma_start3A_46 = arith.constant 0 : i32
        %dma_start3A_47 = tpu.memref_slice %arg8[%dma_start3A_45, %dma_start3A_46] : memref<50176x32xf32, #tpu.memory_space<vmem_shared>> -> memref<50176x32xf32, #tpu.memory_space<vmem_shared>>
        tpu.enqueue_indirect_dma source(%dma_start3A_41 : memref<128x32xf32, #tpu.memory_space<vmem>>) target(%dma_start3A_47 : memref<50176x32xf32, #tpu.memory_space<vmem_shared>>) offsets(%dma_start3A_44 : memref<128xi32, #tpu.memory_space<vmem>>) semaphore(%run_scoped3A_39 : memref<!tpu.dma_semaphore, #tpu.memory_space<semaphore_mem>>) {add = true}
        %dma_wait3A = arith.constant 0 : i32
        %dma_wait3A_48 = arith.constant 0 : i32
        %dma_wait3A_49 = tpu.memref_slice %arg6[%dma_wait3A, %dma_wait3A_48] : memref<512x32xf32, #tpu.memory_space<vmem>> -> memref<128x32xf32, #tpu.memory_space<vmem>>
        %dma_wait3A_50 = arith.constant 0 : i32
        %dma_wait3A_51 = tpu.memref_slice %arg5[%run_scoped3A, %dma_wait3A_50] : memref<4x128xi32, #tpu.memory_space<vmem>> -> memref<1x128xi32, #tpu.memory_space<vmem>>
        %dma_wait3A_52 = tpu.memref_squeeze %dma_wait3A_51 : memref<1x128xi32, #tpu.memory_space<vmem>> -> memref<128xi32, #tpu.memory_space<vmem>>
        %dma_wait3A_53 = arith.constant 0 : i32
        %dma_wait3A_54 = arith.constant 0 : i32
        %dma_wait3A_55 = tpu.memref_slice %arg8[%dma_wait3A_53, %dma_wait3A_54] : memref<50176x32xf32, #tpu.memory_space<vmem_shared>> -> memref<50176x32xf32, #tpu.memory_space<vmem_shared>>
        tpu.wait_indirect_dma semaphore(%run_scoped3A_39 : memref<!tpu.dma_semaphore, #tpu.memory_space<semaphore_mem>>) src(%dma_wait3A_49 : memref<128x32xf32, #tpu.memory_space<vmem>>) dst(%dma_wait3A_55 : memref<50176x32xf32, #tpu.memory_space<vmem_shared>>)
        tpu.yield
      }) : () -> ()
      %run_scoped3A_36 = arith.constant 1 : i32
      "tpu.region"() ({
        %run_scoped3A_39 = tpu.sem_alloc : memref<!tpu.dma_semaphore, #tpu.memory_space<semaphore_mem>>
        %dma_start3A = arith.constant 128 : i32
        %dma_start3A_40 = arith.constant 0 : i32
        %dma_start3A_41 = tpu.memref_slice %arg6[%dma_start3A, %dma_start3A_40] : memref<512x32xf32, #tpu.memory_space<vmem>> -> memref<128x32xf32, #tpu.memory_space<vmem>>
        %dma_start3A_42 = arith.constant 0 : i32
        %dma_start3A_43 = tpu.memref_slice %arg5[%run_scoped3A_36, %dma_start3A_42] : memref<4x128xi32, #tpu.memory_space<vmem>> -> memref<1x128xi32, #tpu.memory_space<vmem>>
        %dma_start3A_44 = tpu.memref_squeeze %dma_start3A_43 : memref<1x128xi32, #tpu.memory_space<vmem>> -> memref<128xi32, #tpu.memory_space<vmem>>
        %dma_start3A_45 = arith.constant 0 : i32
        %dma_start3A_46 = arith.constant 0 : i32
        %dma_start3A_47 = tpu.memref_slice %arg8[%dma_start3A_45, %dma_start3A_46] : memref<50176x32xf32, #tpu.memory_space<vmem_shared>> -> memref<50176x32xf32, #tpu.memory_space<vmem_shared>>
        tpu.enqueue_indirect_dma source(%dma_start3A_41 : memref<128x32xf32, #tpu.memory_space<vmem>>) target(%dma_start3A_47 : memref<50176x32xf32, #tpu.memory_space<vmem_shared>>) offsets(%dma_start3A_44 : memref<128xi32, #tpu.memory_space<vmem>>) semaphore(%run_scoped3A_39 : memref<!tpu.dma_semaphore, #tpu.memory_space<semaphore_mem>>) {add = true}
        %dma_wait3A = arith.constant 128 : i32
        %dma_wait3A_48 = arith.constant 0 : i32
        %dma_wait3A_49 = tpu.memref_slice %arg6[%dma_wait3A, %dma_wait3A_48] : memref<512x32xf32, #tpu.memory_space<vmem>> -> memref<128x32xf32, #tpu.memory_space<vmem>>
        %dma_wait3A_50 = arith.constant 0 : i32
        %dma_wait3A_51 = tpu.memref_slice %arg5[%run_scoped3A_36, %dma_wait3A_50] : memref<4x128xi32, #tpu.memory_space<vmem>> -> memref<1x128xi32, #tpu.memory_space<vmem>>
        %dma_wait3A_52 = tpu.memref_squeeze %dma_wait3A_51 : memref<1x128xi32, #tpu.memory_space<vmem>> -> memref<128xi32, #tpu.memory_space<vmem>>
        %dma_wait3A_53 = arith.constant 0 : i32
        %dma_wait3A_54 = arith.constant 0 : i32
        %dma_wait3A_55 = tpu.memref_slice %arg8[%dma_wait3A_53, %dma_wait3A_54] : memref<50176x32xf32, #tpu.memory_space<vmem_shared>> -> memref<50176x32xf32, #tpu.memory_space<vmem_shared>>
        tpu.wait_indirect_dma semaphore(%run_scoped3A_39 : memref<!tpu.dma_semaphore, #tpu.memory_space<semaphore_mem>>) src(%dma_wait3A_49 : memref<128x32xf32, #tpu.memory_space<vmem>>) dst(%dma_wait3A_55 : memref<50176x32xf32, #tpu.memory_space<vmem_shared>>)
        tpu.yield
      }) : () -> ()
      %run_scoped3A_37 = arith.constant 2 : i32
      "tpu.region"() ({
        %run_scoped3A_39 = tpu.sem_alloc : memref<!tpu.dma_semaphore, #tpu.memory_space<semaphore_mem>>
        %dma_start3A = arith.constant 256 : i32
        %dma_start3A_40 = arith.constant 0 : i32
        %dma_start3A_41 = tpu.memref_slice %arg6[%dma_start3A, %dma_start3A_40] : memref<512x32xf32, #tpu.memory_space<vmem>> -> memref<128x32xf32, #tpu.memory_space<vmem>>
        %dma_start3A_42 = arith.constant 0 : i32
        %dma_start3A_43 = tpu.memref_slice %arg5[%run_scoped3A_37, %dma_start3A_42] : memref<4x128xi32, #tpu.memory_space<vmem>> -> memref<1x128xi32, #tpu.memory_space<vmem>>
        %dma_start3A_44 = tpu.memref_squeeze %dma_start3A_43 : memref<1x128xi32, #tpu.memory_space<vmem>> -> memref<128xi32, #tpu.memory_space<vmem>>
        %dma_start3A_45 = arith.constant 0 : i32
        %dma_start3A_46 = arith.constant 0 : i32
        %dma_start3A_47 = tpu.memref_slice %arg8[%dma_start3A_45, %dma_start3A_46] : memref<50176x32xf32, #tpu.memory_space<vmem_shared>> -> memref<50176x32xf32, #tpu.memory_space<vmem_shared>>
        tpu.enqueue_indirect_dma source(%dma_start3A_41 : memref<128x32xf32, #tpu.memory_space<vmem>>) target(%dma_start3A_47 : memref<50176x32xf32, #tpu.memory_space<vmem_shared>>) offsets(%dma_start3A_44 : memref<128xi32, #tpu.memory_space<vmem>>) semaphore(%run_scoped3A_39 : memref<!tpu.dma_semaphore, #tpu.memory_space<semaphore_mem>>) {add = true}
        %dma_wait3A = arith.constant 256 : i32
        %dma_wait3A_48 = arith.constant 0 : i32
        %dma_wait3A_49 = tpu.memref_slice %arg6[%dma_wait3A, %dma_wait3A_48] : memref<512x32xf32, #tpu.memory_space<vmem>> -> memref<128x32xf32, #tpu.memory_space<vmem>>
        %dma_wait3A_50 = arith.constant 0 : i32
        %dma_wait3A_51 = tpu.memref_slice %arg5[%run_scoped3A_37, %dma_wait3A_50] : memref<4x128xi32, #tpu.memory_space<vmem>> -> memref<1x128xi32, #tpu.memory_space<vmem>>
        %dma_wait3A_52 = tpu.memref_squeeze %dma_wait3A_51 : memref<1x128xi32, #tpu.memory_space<vmem>> -> memref<128xi32, #tpu.memory_space<vmem>>
        %dma_wait3A_53 = arith.constant 0 : i32
        %dma_wait3A_54 = arith.constant 0 : i32
        %dma_wait3A_55 = tpu.memref_slice %arg8[%dma_wait3A_53, %dma_wait3A_54] : memref<50176x32xf32, #tpu.memory_space<vmem_shared>> -> memref<50176x32xf32, #tpu.memory_space<vmem_shared>>
        tpu.wait_indirect_dma semaphore(%run_scoped3A_39 : memref<!tpu.dma_semaphore, #tpu.memory_space<semaphore_mem>>) src(%dma_wait3A_49 : memref<128x32xf32, #tpu.memory_space<vmem>>) dst(%dma_wait3A_55 : memref<50176x32xf32, #tpu.memory_space<vmem_shared>>)
        tpu.yield
      }) : () -> ()
      %run_scoped3A_38 = arith.constant 3 : i32
      "tpu.region"() ({
        %run_scoped3A_39 = tpu.sem_alloc : memref<!tpu.dma_semaphore, #tpu.memory_space<semaphore_mem>>
        %dma_start3A = arith.constant 384 : i32
        %dma_start3A_40 = arith.constant 0 : i32
        %dma_start3A_41 = tpu.memref_slice %arg6[%dma_start3A, %dma_start3A_40] : memref<512x32xf32, #tpu.memory_space<vmem>> -> memref<128x32xf32, #tpu.memory_space<vmem>>
        %dma_start3A_42 = arith.constant 0 : i32
        %dma_start3A_43 = tpu.memref_slice %arg5[%run_scoped3A_38, %dma_start3A_42] : memref<4x128xi32, #tpu.memory_space<vmem>> -> memref<1x128xi32, #tpu.memory_space<vmem>>
        %dma_start3A_44 = tpu.memref_squeeze %dma_start3A_43 : memref<1x128xi32, #tpu.memory_space<vmem>> -> memref<128xi32, #tpu.memory_space<vmem>>
        %dma_start3A_45 = arith.constant 0 : i32
        %dma_start3A_46 = arith.constant 0 : i32
        %dma_start3A_47 = tpu.memref_slice %arg8[%dma_start3A_45, %dma_start3A_46] : memref<50176x32xf32, #tpu.memory_space<vmem_shared>> -> memref<50176x32xf32, #tpu.memory_space<vmem_shared>>
        tpu.enqueue_indirect_dma source(%dma_start3A_41 : memref<128x32xf32, #tpu.memory_space<vmem>>) target(%dma_start3A_47 : memref<50176x32xf32, #tpu.memory_space<vmem_shared>>) offsets(%dma_start3A_44 : memref<128xi32, #tpu.memory_space<vmem>>) semaphore(%run_scoped3A_39 : memref<!tpu.dma_semaphore, #tpu.memory_space<semaphore_mem>>) {add = true}
        %dma_wait3A = arith.constant 384 : i32
        %dma_wait3A_48 = arith.constant 0 : i32
        %dma_wait3A_49 = tpu.memref_slice %arg6[%dma_wait3A, %dma_wait3A_48] : memref<512x32xf32, #tpu.memory_space<vmem>> -> memref<128x32xf32, #tpu.memory_space<vmem>>
        %dma_wait3A_50 = arith.constant 0 : i32
        %dma_wait3A_51 = tpu.memref_slice %arg5[%run_scoped3A_38, %dma_wait3A_50] : memref<4x128xi32, #tpu.memory_space<vmem>> -> memref<1x128xi32, #tpu.memory_space<vmem>>
        %dma_wait3A_52 = tpu.memref_squeeze %dma_wait3A_51 : memref<1x128xi32, #tpu.memory_space<vmem>> -> memref<128xi32, #tpu.memory_space<vmem>>
        %dma_wait3A_53 = arith.constant 0 : i32
        %dma_wait3A_54 = arith.constant 0 : i32
        %dma_wait3A_55 = tpu.memref_slice %arg8[%dma_wait3A_53, %dma_wait3A_54] : memref<50176x32xf32, #tpu.memory_space<vmem_shared>> -> memref<50176x32xf32, #tpu.memory_space<vmem_shared>>
        tpu.wait_indirect_dma semaphore(%run_scoped3A_39 : memref<!tpu.dma_semaphore, #tpu.memory_space<semaphore_mem>>) src(%dma_wait3A_49 : memref<128x32xf32, #tpu.memory_space<vmem>>) dst(%dma_wait3A_55 : memref<50176x32xf32, #tpu.memory_space<vmem_shared>>)
        tpu.yield
      }) : () -> ()
    }
    %scan3A_18 = arith.constant 97 : i32
    %lt3A = arith.constant 10 : i32
    %lt3A_19 = arith.cmpi slt, %arg1, %lt3A : i32
    %convert_element_type3A = arith.extui %lt3A_19 : i1 to i32
    %cond3A = arith.constant 0 : i32
    %cond3A_20 = arith.cmpi ne, %convert_element_type3A, %cond3A : i32
    scf.if %cond3A_20 {
      %add3A_30 = arith.constant 388 : i32
      %add3A_31 = arith.addi %add3A, %add3A_30 : i32
      "tpu.region"() ({
        %run_scoped3A_36 = tpu.sem_alloc : memref<!tpu.dma_semaphore, #tpu.memory_space<semaphore_mem>>
        %dma_start3A = arith.constant 0 : i32
        %dma_start3A_37 = arith.constant 0 : i32
        %dma_start3A_38 = tpu.memref_slice %arg5[%dma_start3A, %dma_start3A_37] : memref<4x128xi32, #tpu.memory_space<vmem>> -> memref<3x128xi32, #tpu.memory_space<vmem>>
        %dma_start3A_39 = arith.constant 0 : i32
        %dma_start3A_40 = tpu.memref_slice %arg2[%add3A_31, %dma_start3A_39] : memref<6250x128xi32, #tpu.memory_space<hbm>> -> memref<3x128xi32, #tpu.memory_space<hbm>>
        %dma_start3A_41 = arith.constant 0 : i32
        %dma_start3A_42 = arith.constant 0 : i32
        %dma_start3A_43 = tpu.memref_slice %arg5[%dma_start3A_41, %dma_start3A_42] : memref<4x128xi32, #tpu.memory_space<vmem>> -> memref<3x128xi32, #tpu.memory_space<vmem>>
        %dma_start3A_44 = arith.constant 0 : i32
        %dma_start3A_45 = tpu.memref_slice %arg2[%add3A_31, %dma_start3A_44] : memref<6250x128xi32, #tpu.memory_space<hbm>> -> memref<3x128xi32, #tpu.memory_space<hbm>>
        tpu.enqueue_dma source(%dma_start3A_45 : memref<3x128xi32, #tpu.memory_space<hbm>>) target(%dma_start3A_43 : memref<3x128xi32, #tpu.memory_space<vmem>>) target_semaphore(%run_scoped3A_36 : memref<!tpu.dma_semaphore, #tpu.memory_space<semaphore_mem>>)
        %dma_wait3A = arith.constant 0 : i32
        %dma_wait3A_46 = arith.constant 0 : i32
        %dma_wait3A_47 = tpu.memref_slice %arg5[%dma_wait3A, %dma_wait3A_46] : memref<4x128xi32, #tpu.memory_space<vmem>> -> memref<3x128xi32, #tpu.memory_space<vmem>>
        %dma_wait3A_48 = arith.constant 0 : i32
        %dma_wait3A_49 = tpu.memref_slice %arg2[%add3A_31, %dma_wait3A_48] : memref<6250x128xi32, #tpu.memory_space<hbm>> -> memref<3x128xi32, #tpu.memory_space<hbm>>
        %dma_wait3A_50 = arith.constant 0 : i32
        %dma_wait3A_51 = arith.constant 0 : i32
        %dma_wait3A_52 = tpu.memref_slice %arg5[%dma_wait3A_50, %dma_wait3A_51] : memref<4x128xi32, #tpu.memory_space<vmem>> -> memref<3x128xi32, #tpu.memory_space<vmem>>
        %dma_wait3A_53 = arith.constant 0 : i32
        %dma_wait3A_54 = tpu.memref_slice %arg2[%add3A_31, %dma_wait3A_53] : memref<6250x128xi32, #tpu.memory_space<hbm>> -> memref<3x128xi32, #tpu.memory_space<hbm>>
        tpu.wait_dma2 semaphore(%run_scoped3A_36 : memref<!tpu.dma_semaphore, #tpu.memory_space<semaphore_mem>>) src(%dma_wait3A_54 : memref<3x128xi32, #tpu.memory_space<hbm>>) dst(%dma_wait3A_52 : memref<3x128xi32, #tpu.memory_space<vmem>>)
        tpu.yield
      }) : () -> ()
      %mul3A_32 = arith.constant 128 : i32
      %mul3A_33 = arith.muli %add3A_31, %mul3A_32 : i32
      "tpu.region"() ({
        %run_scoped3A_36 = tpu.sem_alloc : memref<!tpu.dma_semaphore, #tpu.memory_space<semaphore_mem>>
        %dma_start3A = arith.constant 0 : i32
        %dma_start3A_37 = arith.constant 0 : i32
        %dma_start3A_38 = tpu.memref_slice %arg6[%dma_start3A, %dma_start3A_37] : memref<512x32xf32, #tpu.memory_space<vmem>> -> memref<384x32xf32, #tpu.memory_space<vmem>>
        %dma_start3A_39 = arith.constant 0 : i32
        %dma_start3A_40 = arith.constant 0 : i32
        %dma_start3A_41 = tpu.memref_slice %arg3[%arg0, %dma_start3A_39, %dma_start3A_40] : memref<2x800000x32xf32, #tpu.memory_space<hbm>> -> memref<1x800000x32xf32, #tpu.memory_space<hbm>>
        %dma_start3A_42 = tpu.memref_squeeze %dma_start3A_41 : memref<1x800000x32xf32, #tpu.memory_space<hbm>> -> memref<800000x32xf32, #tpu.memory_space<hbm>>
        %dma_start3A_43 = arith.constant 0 : i32
        %dma_start3A_44 = tpu.memref_slice %dma_start3A_42[%mul3A_33, %dma_start3A_43] : memref<800000x32xf32, #tpu.memory_space<hbm>> -> memref<384x32xf32, #tpu.memory_space<hbm>>
        %dma_start3A_45 = arith.constant 0 : i32
        %dma_start3A_46 = arith.constant 0 : i32
        %dma_start3A_47 = tpu.memref_slice %arg6[%dma_start3A_45, %dma_start3A_46] : memref<512x32xf32, #tpu.memory_space<vmem>> -> memref<384x32xf32, #tpu.memory_space<vmem>>
        %dma_start3A_48 = arith.constant 0 : i32
        %dma_start3A_49 = arith.constant 0 : i32
        %dma_start3A_50 = tpu.memref_slice %arg3[%arg0, %dma_start3A_48, %dma_start3A_49] : memref<2x800000x32xf32, #tpu.memory_space<hbm>> -> memref<1x800000x32xf32, #tpu.memory_space<hbm>>
        %dma_start3A_51 = tpu.memref_squeeze %dma_start3A_50 : memref<1x800000x32xf32, #tpu.memory_space<hbm>> -> memref<800000x32xf32, #tpu.memory_space<hbm>>
        %dma_start3A_52 = arith.constant 0 : i32
        %dma_start3A_53 = tpu.memref_slice %dma_start3A_51[%mul3A_33, %dma_start3A_52] : memref<800000x32xf32, #tpu.memory_space<hbm>> -> memref<384x32xf32, #tpu.memory_space<hbm>>
        tpu.enqueue_dma source(%dma_start3A_53 : memref<384x32xf32, #tpu.memory_space<hbm>>) target(%dma_start3A_47 : memref<384x32xf32, #tpu.memory_space<vmem>>) target_semaphore(%run_scoped3A_36 : memref<!tpu.dma_semaphore, #tpu.memory_space<semaphore_mem>>)
        %dma_wait3A = arith.constant 0 : i32
        %dma_wait3A_54 = arith.constant 0 : i32
        %dma_wait3A_55 = tpu.memref_slice %arg6[%dma_wait3A, %dma_wait3A_54] : memref<512x32xf32, #tpu.memory_space<vmem>> -> memref<384x32xf32, #tpu.memory_space<vmem>>
        %dma_wait3A_56 = arith.constant 0 : i32
        %dma_wait3A_57 = arith.constant 0 : i32
        %dma_wait3A_58 = tpu.memref_slice %arg3[%arg0, %dma_wait3A_56, %dma_wait3A_57] : memref<2x800000x32xf32, #tpu.memory_space<hbm>> -> memref<1x800000x32xf32, #tpu.memory_space<hbm>>
        %dma_wait3A_59 = tpu.memref_squeeze %dma_wait3A_58 : memref<1x800000x32xf32, #tpu.memory_space<hbm>> -> memref<800000x32xf32, #tpu.memory_space<hbm>>
        %dma_wait3A_60 = arith.constant 0 : i32
        %dma_wait3A_61 = tpu.memref_slice %dma_wait3A_59[%mul3A_33, %dma_wait3A_60] : memref<800000x32xf32, #tpu.memory_space<hbm>> -> memref<384x32xf32, #tpu.memory_space<hbm>>
        %dma_wait3A_62 = arith.constant 0 : i32
        %dma_wait3A_63 = arith.constant 0 : i32
        %dma_wait3A_64 = tpu.memref_slice %arg6[%dma_wait3A_62, %dma_wait3A_63] : memref<512x32xf32, #tpu.memory_space<vmem>> -> memref<384x32xf32, #tpu.memory_space<vmem>>
        %dma_wait3A_65 = arith.constant 0 : i32
        %dma_wait3A_66 = arith.constant 0 : i32
        %dma_wait3A_67 = tpu.memref_slice %arg3[%arg0, %dma_wait3A_65, %dma_wait3A_66] : memref<2x800000x32xf32, #tpu.memory_space<hbm>> -> memref<1x800000x32xf32, #tpu.memory_space<hbm>>
        %dma_wait3A_68 = tpu.memref_squeeze %dma_wait3A_67 : memref<1x800000x32xf32, #tpu.memory_space<hbm>> -> memref<800000x32xf32, #tpu.memory_space<hbm>>
        %dma_wait3A_69 = arith.constant 0 : i32
        %dma_wait3A_70 = tpu.memref_slice %dma_wait3A_68[%mul3A_33, %dma_wait3A_69] : memref<800000x32xf32, #tpu.memory_space<hbm>> -> memref<384x32xf32, #tpu.memory_space<hbm>>
        tpu.wait_dma2 semaphore(%run_scoped3A_36 : memref<!tpu.dma_semaphore, #tpu.memory_space<semaphore_mem>>) src(%dma_wait3A_70 : memref<384x32xf32, #tpu.memory_space<hbm>>) dst(%dma_wait3A_64 : memref<384x32xf32, #tpu.memory_space<vmem>>)
        tpu.yield
      }) : () -> ()
      %run_scoped3A = arith.constant 0 : i32
      "tpu.region"() ({
        %run_scoped3A_36 = tpu.sem_alloc : memref<!tpu.dma_semaphore, #tpu.memory_space<semaphore_mem>>
        %dma_start3A = arith.constant 0 : i32
        %dma_start3A_37 = arith.constant 0 : i32
        %dma_start3A_38 = tpu.memref_slice %arg6[%dma_start3A, %dma_start3A_37] : memref<512x32xf32, #tpu.memory_space<vmem>> -> memref<128x32xf32, #tpu.memory_space<vmem>>
        %dma_start3A_39 = arith.constant 0 : i32
        %dma_start3A_40 = tpu.memref_slice %arg5[%run_scoped3A, %dma_start3A_39] : memref<4x128xi32, #tpu.memory_space<vmem>> -> memref<1x128xi32, #tpu.memory_space<vmem>>
        %dma_start3A_41 = tpu.memref_squeeze %dma_start3A_40 : memref<1x128xi32, #tpu.memory_space<vmem>> -> memref<128xi32, #tpu.memory_space<vmem>>
        %dma_start3A_42 = arith.constant 0 : i32
        %dma_start3A_43 = arith.constant 0 : i32
        %dma_start3A_44 = tpu.memref_slice %arg8[%dma_start3A_42, %dma_start3A_43] : memref<50176x32xf32, #tpu.memory_space<vmem_shared>> -> memref<50176x32xf32, #tpu.memory_space<vmem_shared>>
        tpu.enqueue_indirect_dma source(%dma_start3A_38 : memref<128x32xf32, #tpu.memory_space<vmem>>) target(%dma_start3A_44 : memref<50176x32xf32, #tpu.memory_space<vmem_shared>>) offsets(%dma_start3A_41 : memref<128xi32, #tpu.memory_space<vmem>>) semaphore(%run_scoped3A_36 : memref<!tpu.dma_semaphore, #tpu.memory_space<semaphore_mem>>) {add = true}
        %dma_wait3A = arith.constant 0 : i32
        %dma_wait3A_45 = arith.constant 0 : i32
        %dma_wait3A_46 = tpu.memref_slice %arg6[%dma_wait3A, %dma_wait3A_45] : memref<512x32xf32, #tpu.memory_space<vmem>> -> memref<128x32xf32, #tpu.memory_space<vmem>>
        %dma_wait3A_47 = arith.constant 0 : i32
        %dma_wait3A_48 = tpu.memref_slice %arg5[%run_scoped3A, %dma_wait3A_47] : memref<4x128xi32, #tpu.memory_space<vmem>> -> memref<1x128xi32, #tpu.memory_space<vmem>>
        %dma_wait3A_49 = tpu.memref_squeeze %dma_wait3A_48 : memref<1x128xi32, #tpu.memory_space<vmem>> -> memref<128xi32, #tpu.memory_space<vmem>>
        %dma_wait3A_50 = arith.constant 0 : i32
        %dma_wait3A_51 = arith.constant 0 : i32
        %dma_wait3A_52 = tpu.memref_slice %arg8[%dma_wait3A_50, %dma_wait3A_51] : memref<50176x32xf32, #tpu.memory_space<vmem_shared>> -> memref<50176x32xf32, #tpu.memory_space<vmem_shared>>
        tpu.wait_indirect_dma semaphore(%run_scoped3A_36 : memref<!tpu.dma_semaphore, #tpu.memory_space<semaphore_mem>>) src(%dma_wait3A_46 : memref<128x32xf32, #tpu.memory_space<vmem>>) dst(%dma_wait3A_52 : memref<50176x32xf32, #tpu.memory_space<vmem_shared>>)
        tpu.yield
      }) : () -> ()
      %run_scoped3A_34 = arith.constant 1 : i32
      "tpu.region"() ({
        %run_scoped3A_36 = tpu.sem_alloc : memref<!tpu.dma_semaphore, #tpu.memory_space<semaphore_mem>>
        %dma_start3A = arith.constant 128 : i32
        %dma_start3A_37 = arith.constant 0 : i32
        %dma_start3A_38 = tpu.memref_slice %arg6[%dma_start3A, %dma_start3A_37] : memref<512x32xf32, #tpu.memory_space<vmem>> -> memref<128x32xf32, #tpu.memory_space<vmem>>
        %dma_start3A_39 = arith.constant 0 : i32
        %dma_start3A_40 = tpu.memref_slice %arg5[%run_scoped3A_34, %dma_start3A_39] : memref<4x128xi32, #tpu.memory_space<vmem>> -> memref<1x128xi32, #tpu.memory_space<vmem>>
        %dma_start3A_41 = tpu.memref_squeeze %dma_start3A_40 : memref<1x128xi32, #tpu.memory_space<vmem>> -> memref<128xi32, #tpu.memory_space<vmem>>
        %dma_start3A_42 = arith.constant 0 : i32
        %dma_start3A_43 = arith.constant 0 : i32
        %dma_start3A_44 = tpu.memref_slice %arg8[%dma_start3A_42, %dma_start3A_43] : memref<50176x32xf32, #tpu.memory_space<vmem_shared>> -> memref<50176x32xf32, #tpu.memory_space<vmem_shared>>
        tpu.enqueue_indirect_dma source(%dma_start3A_38 : memref<128x32xf32, #tpu.memory_space<vmem>>) target(%dma_start3A_44 : memref<50176x32xf32, #tpu.memory_space<vmem_shared>>) offsets(%dma_start3A_41 : memref<128xi32, #tpu.memory_space<vmem>>) semaphore(%run_scoped3A_36 : memref<!tpu.dma_semaphore, #tpu.memory_space<semaphore_mem>>) {add = true}
        %dma_wait3A = arith.constant 128 : i32
        %dma_wait3A_45 = arith.constant 0 : i32
        %dma_wait3A_46 = tpu.memref_slice %arg6[%dma_wait3A, %dma_wait3A_45] : memref<512x32xf32, #tpu.memory_space<vmem>> -> memref<128x32xf32, #tpu.memory_space<vmem>>
        %dma_wait3A_47 = arith.constant 0 : i32
        %dma_wait3A_48 = tpu.memref_slice %arg5[%run_scoped3A_34, %dma_wait3A_47] : memref<4x128xi32, #tpu.memory_space<vmem>> -> memref<1x128xi32, #tpu.memory_space<vmem>>
        %dma_wait3A_49 = tpu.memref_squeeze %dma_wait3A_48 : memref<1x128xi32, #tpu.memory_space<vmem>> -> memref<128xi32, #tpu.memory_space<vmem>>
        %dma_wait3A_50 = arith.constant 0 : i32
        %dma_wait3A_51 = arith.constant 0 : i32
        %dma_wait3A_52 = tpu.memref_slice %arg8[%dma_wait3A_50, %dma_wait3A_51] : memref<50176x32xf32, #tpu.memory_space<vmem_shared>> -> memref<50176x32xf32, #tpu.memory_space<vmem_shared>>
        tpu.wait_indirect_dma semaphore(%run_scoped3A_36 : memref<!tpu.dma_semaphore, #tpu.memory_space<semaphore_mem>>) src(%dma_wait3A_46 : memref<128x32xf32, #tpu.memory_space<vmem>>) dst(%dma_wait3A_52 : memref<50176x32xf32, #tpu.memory_space<vmem_shared>>)
        tpu.yield
      }) : () -> ()
      %run_scoped3A_35 = arith.constant 2 : i32
      "tpu.region"() ({
        %run_scoped3A_36 = tpu.sem_alloc : memref<!tpu.dma_semaphore, #tpu.memory_space<semaphore_mem>>
        %dma_start3A = arith.constant 256 : i32
        %dma_start3A_37 = arith.constant 0 : i32
        %dma_start3A_38 = tpu.memref_slice %arg6[%dma_start3A, %dma_start3A_37] : memref<512x32xf32, #tpu.memory_space<vmem>> -> memref<128x32xf32, #tpu.memory_space<vmem>>
        %dma_start3A_39 = arith.constant 0 : i32
        %dma_start3A_40 = tpu.memref_slice %arg5[%run_scoped3A_35, %dma_start3A_39] : memref<4x128xi32, #tpu.memory_space<vmem>> -> memref<1x128xi32, #tpu.memory_space<vmem>>
        %dma_start3A_41 = tpu.memref_squeeze %dma_start3A_40 : memref<1x128xi32, #tpu.memory_space<vmem>> -> memref<128xi32, #tpu.memory_space<vmem>>
        %dma_start3A_42 = arith.constant 0 : i32
        %dma_start3A_43 = arith.constant 0 : i32
        %dma_start3A_44 = tpu.memref_slice %arg8[%dma_start3A_42, %dma_start3A_43] : memref<50176x32xf32, #tpu.memory_space<vmem_shared>> -> memref<50176x32xf32, #tpu.memory_space<vmem_shared>>
        tpu.enqueue_indirect_dma source(%dma_start3A_38 : memref<128x32xf32, #tpu.memory_space<vmem>>) target(%dma_start3A_44 : memref<50176x32xf32, #tpu.memory_space<vmem_shared>>) offsets(%dma_start3A_41 : memref<128xi32, #tpu.memory_space<vmem>>) semaphore(%run_scoped3A_36 : memref<!tpu.dma_semaphore, #tpu.memory_space<semaphore_mem>>) {add = true}
        %dma_wait3A = arith.constant 256 : i32
        %dma_wait3A_45 = arith.constant 0 : i32
        %dma_wait3A_46 = tpu.memref_slice %arg6[%dma_wait3A, %dma_wait3A_45] : memref<512x32xf32, #tpu.memory_space<vmem>> -> memref<128x32xf32, #tpu.memory_space<vmem>>
        %dma_wait3A_47 = arith.constant 0 : i32
        %dma_wait3A_48 = tpu.memref_slice %arg5[%run_scoped3A_35, %dma_wait3A_47] : memref<4x128xi32, #tpu.memory_space<vmem>> -> memref<1x128xi32, #tpu.memory_space<vmem>>
        %dma_wait3A_49 = tpu.memref_squeeze %dma_wait3A_48 : memref<1x128xi32, #tpu.memory_space<vmem>> -> memref<128xi32, #tpu.memory_space<vmem>>
        %dma_wait3A_50 = arith.constant 0 : i32
        %dma_wait3A_51 = arith.constant 0 : i32
        %dma_wait3A_52 = tpu.memref_slice %arg8[%dma_wait3A_50, %dma_wait3A_51] : memref<50176x32xf32, #tpu.memory_space<vmem_shared>> -> memref<50176x32xf32, #tpu.memory_space<vmem_shared>>
        tpu.wait_indirect_dma semaphore(%run_scoped3A_36 : memref<!tpu.dma_semaphore, #tpu.memory_space<semaphore_mem>>) src(%dma_wait3A_46 : memref<128x32xf32, #tpu.memory_space<vmem>>) dst(%dma_wait3A_52 : memref<50176x32xf32, #tpu.memory_space<vmem_shared>>)
        tpu.yield
      }) : () -> ()
    } else {
    }
    %ge3A = arith.constant 10 : i32
    %ge3A_21 = arith.cmpi sge, %arg1, %ge3A : i32
    %convert_element_type3A_22 = arith.extui %ge3A_21 : i1 to i32
    %cond3A_23 = arith.constant 0 : i32
    %cond3A_24 = arith.cmpi ne, %convert_element_type3A_22, %cond3A_23 : i32
    scf.if %cond3A_24 {
      %add3A_30 = arith.constant 388 : i32
      %add3A_31 = arith.addi %add3A, %add3A_30 : i32
      "tpu.region"() ({
        %run_scoped3A_35 = tpu.sem_alloc : memref<!tpu.dma_semaphore, #tpu.memory_space<semaphore_mem>>
        %dma_start3A = arith.constant 0 : i32
        %dma_start3A_36 = arith.constant 0 : i32
        %dma_start3A_37 = tpu.memref_slice %arg5[%dma_start3A, %dma_start3A_36] : memref<4x128xi32, #tpu.memory_space<vmem>> -> memref<2x128xi32, #tpu.memory_space<vmem>>
        %dma_start3A_38 = arith.constant 0 : i32
        %dma_start3A_39 = tpu.memref_slice %arg2[%add3A_31, %dma_start3A_38] : memref<6250x128xi32, #tpu.memory_space<hbm>> -> memref<2x128xi32, #tpu.memory_space<hbm>>
        %dma_start3A_40 = arith.constant 0 : i32
        %dma_start3A_41 = arith.constant 0 : i32
        %dma_start3A_42 = tpu.memref_slice %arg5[%dma_start3A_40, %dma_start3A_41] : memref<4x128xi32, #tpu.memory_space<vmem>> -> memref<2x128xi32, #tpu.memory_space<vmem>>
        %dma_start3A_43 = arith.constant 0 : i32
        %dma_start3A_44 = tpu.memref_slice %arg2[%add3A_31, %dma_start3A_43] : memref<6250x128xi32, #tpu.memory_space<hbm>> -> memref<2x128xi32, #tpu.memory_space<hbm>>
        tpu.enqueue_dma source(%dma_start3A_44 : memref<2x128xi32, #tpu.memory_space<hbm>>) target(%dma_start3A_42 : memref<2x128xi32, #tpu.memory_space<vmem>>) target_semaphore(%run_scoped3A_35 : memref<!tpu.dma_semaphore, #tpu.memory_space<semaphore_mem>>)
        %dma_wait3A = arith.constant 0 : i32
        %dma_wait3A_45 = arith.constant 0 : i32
        %dma_wait3A_46 = tpu.memref_slice %arg5[%dma_wait3A, %dma_wait3A_45] : memref<4x128xi32, #tpu.memory_space<vmem>> -> memref<2x128xi32, #tpu.memory_space<vmem>>
        %dma_wait3A_47 = arith.constant 0 : i32
        %dma_wait3A_48 = tpu.memref_slice %arg2[%add3A_31, %dma_wait3A_47] : memref<6250x128xi32, #tpu.memory_space<hbm>> -> memref<2x128xi32, #tpu.memory_space<hbm>>
        %dma_wait3A_49 = arith.constant 0 : i32
        %dma_wait3A_50 = arith.constant 0 : i32
        %dma_wait3A_51 = tpu.memref_slice %arg5[%dma_wait3A_49, %dma_wait3A_50] : memref<4x128xi32, #tpu.memory_space<vmem>> -> memref<2x128xi32, #tpu.memory_space<vmem>>
        %dma_wait3A_52 = arith.constant 0 : i32
        %dma_wait3A_53 = tpu.memref_slice %arg2[%add3A_31, %dma_wait3A_52] : memref<6250x128xi32, #tpu.memory_space<hbm>> -> memref<2x128xi32, #tpu.memory_space<hbm>>
        tpu.wait_dma2 semaphore(%run_scoped3A_35 : memref<!tpu.dma_semaphore, #tpu.memory_space<semaphore_mem>>) src(%dma_wait3A_53 : memref<2x128xi32, #tpu.memory_space<hbm>>) dst(%dma_wait3A_51 : memref<2x128xi32, #tpu.memory_space<vmem>>)
        tpu.yield
      }) : () -> ()
      %mul3A_32 = arith.constant 128 : i32
      %mul3A_33 = arith.muli %add3A_31, %mul3A_32 : i32
      "tpu.region"() ({
        %run_scoped3A_35 = tpu.sem_alloc : memref<!tpu.dma_semaphore, #tpu.memory_space<semaphore_mem>>
        %dma_start3A = arith.constant 0 : i32
        %dma_start3A_36 = arith.constant 0 : i32
        %dma_start3A_37 = tpu.memref_slice %arg6[%dma_start3A, %dma_start3A_36] : memref<512x32xf32, #tpu.memory_space<vmem>> -> memref<256x32xf32, #tpu.memory_space<vmem>>
        %dma_start3A_38 = arith.constant 0 : i32
        %dma_start3A_39 = arith.constant 0 : i32
        %dma_start3A_40 = tpu.memref_slice %arg3[%arg0, %dma_start3A_38, %dma_start3A_39] : memref<2x800000x32xf32, #tpu.memory_space<hbm>> -> memref<1x800000x32xf32, #tpu.memory_space<hbm>>
        %dma_start3A_41 = tpu.memref_squeeze %dma_start3A_40 : memref<1x800000x32xf32, #tpu.memory_space<hbm>> -> memref<800000x32xf32, #tpu.memory_space<hbm>>
        %dma_start3A_42 = arith.constant 0 : i32
        %dma_start3A_43 = tpu.memref_slice %dma_start3A_41[%mul3A_33, %dma_start3A_42] : memref<800000x32xf32, #tpu.memory_space<hbm>> -> memref<256x32xf32, #tpu.memory_space<hbm>>
        %dma_start3A_44 = arith.constant 0 : i32
        %dma_start3A_45 = arith.constant 0 : i32
        %dma_start3A_46 = tpu.memref_slice %arg6[%dma_start3A_44, %dma_start3A_45] : memref<512x32xf32, #tpu.memory_space<vmem>> -> memref<256x32xf32, #tpu.memory_space<vmem>>
        %dma_start3A_47 = arith.constant 0 : i32
        %dma_start3A_48 = arith.constant 0 : i32
        %dma_start3A_49 = tpu.memref_slice %arg3[%arg0, %dma_start3A_47, %dma_start3A_48] : memref<2x800000x32xf32, #tpu.memory_space<hbm>> -> memref<1x800000x32xf32, #tpu.memory_space<hbm>>
        %dma_start3A_50 = tpu.memref_squeeze %dma_start3A_49 : memref<1x800000x32xf32, #tpu.memory_space<hbm>> -> memref<800000x32xf32, #tpu.memory_space<hbm>>
        %dma_start3A_51 = arith.constant 0 : i32
        %dma_start3A_52 = tpu.memref_slice %dma_start3A_50[%mul3A_33, %dma_start3A_51] : memref<800000x32xf32, #tpu.memory_space<hbm>> -> memref<256x32xf32, #tpu.memory_space<hbm>>
        tpu.enqueue_dma source(%dma_start3A_52 : memref<256x32xf32, #tpu.memory_space<hbm>>) target(%dma_start3A_46 : memref<256x32xf32, #tpu.memory_space<vmem>>) target_semaphore(%run_scoped3A_35 : memref<!tpu.dma_semaphore, #tpu.memory_space<semaphore_mem>>)
        %dma_wait3A = arith.constant 0 : i32
        %dma_wait3A_53 = arith.constant 0 : i32
        %dma_wait3A_54 = tpu.memref_slice %arg6[%dma_wait3A, %dma_wait3A_53] : memref<512x32xf32, #tpu.memory_space<vmem>> -> memref<256x32xf32, #tpu.memory_space<vmem>>
        %dma_wait3A_55 = arith.constant 0 : i32
        %dma_wait3A_56 = arith.constant 0 : i32
        %dma_wait3A_57 = tpu.memref_slice %arg3[%arg0, %dma_wait3A_55, %dma_wait3A_56] : memref<2x800000x32xf32, #tpu.memory_space<hbm>> -> memref<1x800000x32xf32, #tpu.memory_space<hbm>>
        %dma_wait3A_58 = tpu.memref_squeeze %dma_wait3A_57 : memref<1x800000x32xf32, #tpu.memory_space<hbm>> -> memref<800000x32xf32, #tpu.memory_space<hbm>>
        %dma_wait3A_59 = arith.constant 0 : i32
        %dma_wait3A_60 = tpu.memref_slice %dma_wait3A_58[%mul3A_33, %dma_wait3A_59] : memref<800000x32xf32, #tpu.memory_space<hbm>> -> memref<256x32xf32, #tpu.memory_space<hbm>>
        %dma_wait3A_61 = arith.constant 0 : i32
        %dma_wait3A_62 = arith.constant 0 : i32
        %dma_wait3A_63 = tpu.memref_slice %arg6[%dma_wait3A_61, %dma_wait3A_62] : memref<512x32xf32, #tpu.memory_space<vmem>> -> memref<256x32xf32, #tpu.memory_space<vmem>>
        %dma_wait3A_64 = arith.constant 0 : i32
        %dma_wait3A_65 = arith.constant 0 : i32
        %dma_wait3A_66 = tpu.memref_slice %arg3[%arg0, %dma_wait3A_64, %dma_wait3A_65] : memref<2x800000x32xf32, #tpu.memory_space<hbm>> -> memref<1x800000x32xf32, #tpu.memory_space<hbm>>
        %dma_wait3A_67 = tpu.memref_squeeze %dma_wait3A_66 : memref<1x800000x32xf32, #tpu.memory_space<hbm>> -> memref<800000x32xf32, #tpu.memory_space<hbm>>
        %dma_wait3A_68 = arith.constant 0 : i32
        %dma_wait3A_69 = tpu.memref_slice %dma_wait3A_67[%mul3A_33, %dma_wait3A_68] : memref<800000x32xf32, #tpu.memory_space<hbm>> -> memref<256x32xf32, #tpu.memory_space<hbm>>
        tpu.wait_dma2 semaphore(%run_scoped3A_35 : memref<!tpu.dma_semaphore, #tpu.memory_space<semaphore_mem>>) src(%dma_wait3A_69 : memref<256x32xf32, #tpu.memory_space<hbm>>) dst(%dma_wait3A_63 : memref<256x32xf32, #tpu.memory_space<vmem>>)
        tpu.yield
      }) : () -> ()
      %run_scoped3A = arith.constant 0 : i32
      "tpu.region"() ({
        %run_scoped3A_35 = tpu.sem_alloc : memref<!tpu.dma_semaphore, #tpu.memory_space<semaphore_mem>>
        %dma_start3A = arith.constant 0 : i32
        %dma_start3A_36 = arith.constant 0 : i32
        %dma_start3A_37 = tpu.memref_slice %arg6[%dma_start3A, %dma_start3A_36] : memref<512x32xf32, #tpu.memory_space<vmem>> -> memref<128x32xf32, #tpu.memory_space<vmem>>
        %dma_start3A_38 = arith.constant 0 : i32
        %dma_start3A_39 = tpu.memref_slice %arg5[%run_scoped3A, %dma_start3A_38] : memref<4x128xi32, #tpu.memory_space<vmem>> -> memref<1x128xi32, #tpu.memory_space<vmem>>
        %dma_start3A_40 = tpu.memref_squeeze %dma_start3A_39 : memref<1x128xi32, #tpu.memory_space<vmem>> -> memref<128xi32, #tpu.memory_space<vmem>>
        %dma_start3A_41 = arith.constant 0 : i32
        %dma_start3A_42 = arith.constant 0 : i32
        %dma_start3A_43 = tpu.memref_slice %arg8[%dma_start3A_41, %dma_start3A_42] : memref<50176x32xf32, #tpu.memory_space<vmem_shared>> -> memref<50176x32xf32, #tpu.memory_space<vmem_shared>>
        tpu.enqueue_indirect_dma source(%dma_start3A_37 : memref<128x32xf32, #tpu.memory_space<vmem>>) target(%dma_start3A_43 : memref<50176x32xf32, #tpu.memory_space<vmem_shared>>) offsets(%dma_start3A_40 : memref<128xi32, #tpu.memory_space<vmem>>) semaphore(%run_scoped3A_35 : memref<!tpu.dma_semaphore, #tpu.memory_space<semaphore_mem>>) {add = true}
        %dma_wait3A = arith.constant 0 : i32
        %dma_wait3A_44 = arith.constant 0 : i32
        %dma_wait3A_45 = tpu.memref_slice %arg6[%dma_wait3A, %dma_wait3A_44] : memref<512x32xf32, #tpu.memory_space<vmem>> -> memref<128x32xf32, #tpu.memory_space<vmem>>
        %dma_wait3A_46 = arith.constant 0 : i32
        %dma_wait3A_47 = tpu.memref_slice %arg5[%run_scoped3A, %dma_wait3A_46] : memref<4x128xi32, #tpu.memory_space<vmem>> -> memref<1x128xi32, #tpu.memory_space<vmem>>
        %dma_wait3A_48 = tpu.memref_squeeze %dma_wait3A_47 : memref<1x128xi32, #tpu.memory_space<vmem>> -> memref<128xi32, #tpu.memory_space<vmem>>
        %dma_wait3A_49 = arith.constant 0 : i32
        %dma_wait3A_50 = arith.constant 0 : i32
        %dma_wait3A_51 = tpu.memref_slice %arg8[%dma_wait3A_49, %dma_wait3A_50] : memref<50176x32xf32, #tpu.memory_space<vmem_shared>> -> memref<50176x32xf32, #tpu.memory_space<vmem_shared>>
        tpu.wait_indirect_dma semaphore(%run_scoped3A_35 : memref<!tpu.dma_semaphore, #tpu.memory_space<semaphore_mem>>) src(%dma_wait3A_45 : memref<128x32xf32, #tpu.memory_space<vmem>>) dst(%dma_wait3A_51 : memref<50176x32xf32, #tpu.memory_space<vmem_shared>>)
        tpu.yield
      }) : () -> ()
      %run_scoped3A_34 = arith.constant 1 : i32
      "tpu.region"() ({
        %run_scoped3A_35 = tpu.sem_alloc : memref<!tpu.dma_semaphore, #tpu.memory_space<semaphore_mem>>
        %dma_start3A = arith.constant 128 : i32
        %dma_start3A_36 = arith.constant 0 : i32
        %dma_start3A_37 = tpu.memref_slice %arg6[%dma_start3A, %dma_start3A_36] : memref<512x32xf32, #tpu.memory_space<vmem>> -> memref<128x32xf32, #tpu.memory_space<vmem>>
        %dma_start3A_38 = arith.constant 0 : i32
        %dma_start3A_39 = tpu.memref_slice %arg5[%run_scoped3A_34, %dma_start3A_38] : memref<4x128xi32, #tpu.memory_space<vmem>> -> memref<1x128xi32, #tpu.memory_space<vmem>>
        %dma_start3A_40 = tpu.memref_squeeze %dma_start3A_39 : memref<1x128xi32, #tpu.memory_space<vmem>> -> memref<128xi32, #tpu.memory_space<vmem>>
        %dma_start3A_41 = arith.constant 0 : i32
        %dma_start3A_42 = arith.constant 0 : i32
        %dma_start3A_43 = tpu.memref_slice %arg8[%dma_start3A_41, %dma_start3A_42] : memref<50176x32xf32, #tpu.memory_space<vmem_shared>> -> memref<50176x32xf32, #tpu.memory_space<vmem_shared>>
        tpu.enqueue_indirect_dma source(%dma_start3A_37 : memref<128x32xf32, #tpu.memory_space<vmem>>) target(%dma_start3A_43 : memref<50176x32xf32, #tpu.memory_space<vmem_shared>>) offsets(%dma_start3A_40 : memref<128xi32, #tpu.memory_space<vmem>>) semaphore(%run_scoped3A_35 : memref<!tpu.dma_semaphore, #tpu.memory_space<semaphore_mem>>) {add = true}
        %dma_wait3A = arith.constant 128 : i32
        %dma_wait3A_44 = arith.constant 0 : i32
        %dma_wait3A_45 = tpu.memref_slice %arg6[%dma_wait3A, %dma_wait3A_44] : memref<512x32xf32, #tpu.memory_space<vmem>> -> memref<128x32xf32, #tpu.memory_space<vmem>>
        %dma_wait3A_46 = arith.constant 0 : i32
        %dma_wait3A_47 = tpu.memref_slice %arg5[%run_scoped3A_34, %dma_wait3A_46] : memref<4x128xi32, #tpu.memory_space<vmem>> -> memref<1x128xi32, #tpu.memory_space<vmem>>
        %dma_wait3A_48 = tpu.memref_squeeze %dma_wait3A_47 : memref<1x128xi32, #tpu.memory_space<vmem>> -> memref<128xi32, #tpu.memory_space<vmem>>
        %dma_wait3A_49 = arith.constant 0 : i32
        %dma_wait3A_50 = arith.constant 0 : i32
        %dma_wait3A_51 = tpu.memref_slice %arg8[%dma_wait3A_49, %dma_wait3A_50] : memref<50176x32xf32, #tpu.memory_space<vmem_shared>> -> memref<50176x32xf32, #tpu.memory_space<vmem_shared>>
        tpu.wait_indirect_dma semaphore(%run_scoped3A_35 : memref<!tpu.dma_semaphore, #tpu.memory_space<semaphore_mem>>) src(%dma_wait3A_45 : memref<128x32xf32, #tpu.memory_space<vmem>>) dst(%dma_wait3A_51 : memref<50176x32xf32, #tpu.memory_space<vmem_shared>>)
        tpu.yield
      }) : () -> ()
    } else {
    }
    %barrier3A_25 = arith.constant 0 : index
    tpu.barrier barrier_id(%barrier3A_25)
    %mul3A_26 = arith.constant 3136 : i32
    %mul3A_27 = arith.muli %arg1, %mul3A_26 : i32
    %mul3A_28 = arith.constant 3136 : i32
    %mul3A_29 = arith.muli %arg1, %mul3A_28 : i32
    "tpu.region"() ({
      %run_scoped3A = tpu.sem_alloc : memref<!tpu.dma_semaphore, #tpu.memory_space<semaphore_mem>>
      %dma_start3A = arith.constant 0 : i32
      %dma_start3A_30 = arith.constant 0 : i32
      %dma_start3A_31 = tpu.memref_slice %arg4[%arg0, %dma_start3A, %dma_start3A_30] : memref<2x50176x32xf32, #tpu.memory_space<hbm>> -> memref<1x50176x32xf32, #tpu.memory_space<hbm>>
      %dma_start3A_32 = tpu.memref_squeeze %dma_start3A_31 : memref<1x50176x32xf32, #tpu.memory_space<hbm>> -> memref<50176x32xf32, #tpu.memory_space<hbm>>
      %dma_start3A_33 = arith.constant 0 : i32
      %dma_start3A_34 = tpu.memref_slice %dma_start3A_32[%mul3A_29, %dma_start3A_33] : memref<50176x32xf32, #tpu.memory_space<hbm>> -> memref<3136x32xf32, #tpu.memory_space<hbm>>
      %dma_start3A_35 = arith.constant 0 : i32
      %dma_start3A_36 = tpu.memref_slice %arg8[%mul3A_27, %dma_start3A_35] : memref<50176x32xf32, #tpu.memory_space<vmem_shared>> -> memref<3136x32xf32, #tpu.memory_space<vmem_shared>>
      tpu.enqueue_dma source(%dma_start3A_36 : memref<3136x32xf32, #tpu.memory_space<vmem_shared>>) target(%dma_start3A_34 : memref<3136x32xf32, #tpu.memory_space<hbm>>) target_semaphore(%run_scoped3A : memref<!tpu.dma_semaphore, #tpu.memory_space<semaphore_mem>>)
      %dma_wait3A = arith.constant 0 : i32
      %dma_wait3A_37 = arith.constant 0 : i32
      %dma_wait3A_38 = tpu.memref_slice %arg4[%arg0, %dma_wait3A, %dma_wait3A_37] : memref<2x50176x32xf32, #tpu.memory_space<hbm>> -> memref<1x50176x32xf32, #tpu.memory_space<hbm>>
      %dma_wait3A_39 = tpu.memref_squeeze %dma_wait3A_38 : memref<1x50176x32xf32, #tpu.memory_space<hbm>> -> memref<50176x32xf32, #tpu.memory_space<hbm>>
      %dma_wait3A_40 = arith.constant 0 : i32
      %dma_wait3A_41 = tpu.memref_slice %dma_wait3A_39[%mul3A_29, %dma_wait3A_40] : memref<50176x32xf32, #tpu.memory_space<hbm>> -> memref<3136x32xf32, #tpu.memory_space<hbm>>
      %dma_wait3A_42 = arith.constant 0 : i32
      %dma_wait3A_43 = tpu.memref_slice %arg8[%mul3A_27, %dma_wait3A_42] : memref<50176x32xf32, #tpu.memory_space<vmem_shared>> -> memref<3136x32xf32, #tpu.memory_space<vmem_shared>>
      tpu.wait_dma2 semaphore(%run_scoped3A : memref<!tpu.dma_semaphore, #tpu.memory_space<semaphore_mem>>) src(%dma_wait3A_43 : memref<3136x32xf32, #tpu.memory_space<vmem_shared>>) dst(%dma_wait3A_41 : memref<3136x32xf32, #tpu.memory_space<hbm>>)
      tpu.yield
    }) : () -> ()
    return
  }
}

module attributes {stable_mosaic.version = 14 : i64} {
  func.func @_mlp_body(%arg0: i32, %arg1: memref<1280x64xf32, #tpu.memory_space<vmem>>, %arg2: memref<9x1280xf32, #tpu.memory_space<vmem>>, %arg3: memref<8x1280xf32, #tpu.memory_space<vmem>>, %arg4: memref<64x128xf32, #tpu.memory_space<vmem>>, %arg5: memref<9x128xf32, #tpu.memory_space<vmem>>, %arg6: memref<8x128xf32, #tpu.memory_space<vmem>>, %arg7: memref<1x128xf32, #tpu.memory_space<vmem>>, %arg8: memref<128x128xf32, #tpu.memory_space<vmem>>, %arg9: memref<1x128xf32, #tpu.memory_space<vmem>>, %arg10: memref<128x64xf32, #tpu.memory_space<vmem>>, %arg11: memref<1x64xf32, #tpu.memory_space<vmem>>, %arg12: memref<2x320x128xf32, #tpu.memory_space<vmem>>) attributes {dimension_semantics = [#tpu.dimension_semantics<arbitrary>], iteration_bounds = array<i64: 625>, scalar_prefetch = 0 : i64, scratch_operands = 0 : i64, tpu.core_type = #tpu.core_type<tc>, window_params = [{transform_indices = @transform_0, window_bounds = array<i64: 1280, 64>}, {transform_indices = @transform_1, window_bounds = array<i64: 9, 1280>}, {transform_indices = @transform_2, window_bounds = array<i64: 8, 1280>}, {pipeline_mode = #tpu.pipeline_mode<synchronous>, transform_indices = @transform_3, window_bounds = array<i64: 64, 128>}, {pipeline_mode = #tpu.pipeline_mode<synchronous>, transform_indices = @transform_4, window_bounds = array<i64: 9, 128>}, {pipeline_mode = #tpu.pipeline_mode<synchronous>, transform_indices = @transform_5, window_bounds = array<i64: 8, 128>}, {pipeline_mode = #tpu.pipeline_mode<synchronous>, transform_indices = @transform_6, window_bounds = array<i64: 1, 128>}, {pipeline_mode = #tpu.pipeline_mode<synchronous>, transform_indices = @transform_7, window_bounds = array<i64: 128, 128>}, {pipeline_mode = #tpu.pipeline_mode<synchronous>, transform_indices = @transform_8, window_bounds = array<i64: 1, 128>}, {pipeline_mode = #tpu.pipeline_mode<synchronous>, transform_indices = @transform_9, window_bounds = array<i64: 128, 64>}, {pipeline_mode = #tpu.pipeline_mode<synchronous>, transform_indices = @transform_10, window_bounds = array<i64: 1, 64>}, {transform_indices = @transform_11, window_bounds = array<i64: 2, 320, 128>}]} {
    %get3A = arith.constant 0 : index
    %get3A_0 = arith.constant 0 : index
    %get3A_1 = vector.load %arg1[%get3A, %get3A_0] : memref<1280x64xf32, #tpu.memory_space<vmem>>, vector<1280x64xf32>
    %get3A_2 = arith.constant 0 : index
    %get3A_3 = arith.constant 0 : index
    %get3A_4 = vector.load %arg4[%get3A_2, %get3A_3] : memref<64x128xf32, #tpu.memory_space<vmem>>, vector<64x128xf32>
    %dot_general3A = arith.constant dense<0.000000e+00> : vector<1280x128xf32>
    %dot_general3A_5 = tpu.matmul %get3A_1, %get3A_4, %dot_general3A {dimension_numbers = #tpu.dot_dimension_numbers<[1], [0], [0], [1], [0, 0, 1, 1], [], []>, transpose_lhs_hint = false} : vector<1280x64xf32>, vector<64x128xf32>, vector<1280x128xf32> -> vector<1280x128xf32>
    %get3A_6 = arith.constant 0 : index
    %get3A_7 = arith.constant 0 : index
    %get3A_8 = vector.load %arg2[%get3A_6, %get3A_7] : memref<9x1280xf32, #tpu.memory_space<vmem>>, vector<9x1280xf32>
    %get3A_9 = arith.constant 0 : index
    %get3A_10 = arith.constant 0 : index
    %get3A_11 = vector.load %arg5[%get3A_9, %get3A_10] : memref<9x128xf32, #tpu.memory_space<vmem>>, vector<9x128xf32>
    %dot_general3A_12 = arith.constant dense<0.000000e+00> : vector<1280x128xf32>
    %dot_general3A_13 = tpu.matmul %get3A_8, %get3A_11, %dot_general3A_12 {dimension_numbers = #tpu.dot_dimension_numbers<[0], [0], [1], [1], [0, 1, 1, 1], [], []>, transpose_lhs_hint = false} : vector<9x1280xf32>, vector<9x128xf32>, vector<1280x128xf32> -> vector<1280x128xf32>
    %add3A = arith.addf %dot_general3A_5, %dot_general3A_13 : vector<1280x128xf32>
    %get3A_14 = arith.constant 0 : index
    %get3A_15 = arith.constant 0 : index
    %get3A_16 = vector.load %arg3[%get3A_14, %get3A_15] : memref<8x1280xf32, #tpu.memory_space<vmem>>, vector<8x1280xf32>
    %get3A_17 = arith.constant 0 : index
    %get3A_18 = arith.constant 0 : index
    %get3A_19 = vector.load %arg6[%get3A_17, %get3A_18] : memref<8x128xf32, #tpu.memory_space<vmem>>, vector<8x128xf32>
    %dot_general3A_20 = arith.constant dense<0.000000e+00> : vector<1280x128xf32>
    %dot_general3A_21 = tpu.matmul %get3A_16, %get3A_19, %dot_general3A_20 {dimension_numbers = #tpu.dot_dimension_numbers<[0], [0], [1], [1], [0, 1, 1, 1], [], []>, transpose_lhs_hint = false} : vector<8x1280xf32>, vector<8x128xf32>, vector<1280x128xf32> -> vector<1280x128xf32>
    %add3A_22 = arith.addf %add3A, %dot_general3A_21 : vector<1280x128xf32>
    %get3A_23 = arith.constant 0 : index
    %get3A_24 = arith.constant 0 : index
    %get3A_25 = vector.load %arg7[%get3A_23, %get3A_24] : memref<1x128xf32, #tpu.memory_space<vmem>>, vector<1x128xf32>
    %add3A_26 = vector.broadcast %get3A_25 : vector<1x128xf32> to vector<1280x128xf32>
    %add3A_27 = arith.addf %add3A_22, %add3A_26 : vector<1280x128xf32>
    %logistic3A = arith.negf %add3A_27 : vector<1280x128xf32>
    %logistic3A_28 = math.exp %logistic3A : vector<1280x128xf32>
    %logistic3A_29 = arith.constant 1.000000e+00 : f32
    %logistic3A_30 = vector.broadcast %logistic3A_29 : f32 to vector<1280x128xf32>
    %logistic3A_31 = arith.addf %logistic3A_30, %logistic3A_28 : vector<1280x128xf32>
    %logistic3A_32 = arith.divf %logistic3A_30, %logistic3A_31 : vector<1280x128xf32>
    %mul3A = arith.mulf %add3A_27, %logistic3A_32 : vector<1280x128xf32>
    %get3A_33 = arith.constant 0 : index
    %get3A_34 = arith.constant 0 : index
    %get3A_35 = vector.load %arg8[%get3A_33, %get3A_34] : memref<128x128xf32, #tpu.memory_space<vmem>>, vector<128x128xf32>
    %dot_general3A_36 = arith.constant dense<0.000000e+00> : vector<1280x128xf32>
    %dot_general3A_37 = tpu.matmul %mul3A, %get3A_35, %dot_general3A_36 {dimension_numbers = #tpu.dot_dimension_numbers<[1], [0], [0], [1], [0, 0, 1, 1], [], []>, transpose_lhs_hint = false} : vector<1280x128xf32>, vector<128x128xf32>, vector<1280x128xf32> -> vector<1280x128xf32>
    %get3A_38 = arith.constant 0 : index
    %get3A_39 = arith.constant 0 : index
    %get3A_40 = vector.load %arg9[%get3A_38, %get3A_39] : memref<1x128xf32, #tpu.memory_space<vmem>>, vector<1x128xf32>
    %add3A_41 = vector.broadcast %get3A_40 : vector<1x128xf32> to vector<1280x128xf32>
    %add3A_42 = arith.addf %dot_general3A_37, %add3A_41 : vector<1280x128xf32>
    %logistic3A_43 = arith.negf %add3A_42 : vector<1280x128xf32>
    %logistic3A_44 = math.exp %logistic3A_43 : vector<1280x128xf32>
    %logistic3A_45 = arith.constant 1.000000e+00 : f32
    %logistic3A_46 = vector.broadcast %logistic3A_45 : f32 to vector<1280x128xf32>
    %logistic3A_47 = arith.addf %logistic3A_46, %logistic3A_44 : vector<1280x128xf32>
    %logistic3A_48 = arith.divf %logistic3A_46, %logistic3A_47 : vector<1280x128xf32>
    %mul3A_49 = arith.mulf %add3A_42, %logistic3A_48 : vector<1280x128xf32>
    %get3A_50 = arith.constant 0 : index
    %get3A_51 = arith.constant 0 : index
    %get3A_52 = vector.load %arg10[%get3A_50, %get3A_51] : memref<128x64xf32, #tpu.memory_space<vmem>>, vector<128x64xf32>
    %dot_general3A_53 = arith.constant dense<0.000000e+00> : vector<1280x64xf32>
    %dot_general3A_54 = tpu.matmul %mul3A_49, %get3A_52, %dot_general3A_53 {dimension_numbers = #tpu.dot_dimension_numbers<[1], [0], [0], [1], [0, 0, 1, 1], [], []>, transpose_lhs_hint = false} : vector<1280x128xf32>, vector<128x64xf32>, vector<1280x64xf32> -> vector<1280x64xf32>
    %get3A_55 = arith.constant 0 : index
    %get3A_56 = arith.constant 0 : index
    %get3A_57 = vector.load %arg11[%get3A_55, %get3A_56] : memref<1x64xf32, #tpu.memory_space<vmem>>, vector<1x64xf32>
    %add3A_58 = vector.broadcast %get3A_57 : vector<1x64xf32> to vector<1280x64xf32>
    %add3A_59 = arith.addf %dot_general3A_54, %add3A_58 : vector<1280x64xf32>
    %slice3A = vector.extract_strided_slice %add3A_59 {offsets = [0, 0], sizes = [1280, 32], strides = [1, 1]} : vector<1280x64xf32> to vector<1280x32xf32>
    %slice3A_60 = vector.extract_strided_slice %slice3A {offsets = [0, 0], sizes = [320, 32], strides = [1, 1]} : vector<1280x32xf32> to vector<320x32xf32>
    %slice3A_61 = vector.extract_strided_slice %slice3A {offsets = [320, 0], sizes = [320, 32], strides = [1, 1]} : vector<1280x32xf32> to vector<320x32xf32>
    %slice3A_62 = vector.extract_strided_slice %slice3A {offsets = [640, 0], sizes = [320, 32], strides = [1, 1]} : vector<1280x32xf32> to vector<320x32xf32>
    %slice3A_63 = vector.extract_strided_slice %slice3A {offsets = [960, 0], sizes = [320, 32], strides = [1, 1]} : vector<1280x32xf32> to vector<320x32xf32>
    %concatenate3A = tpu.concatenate %slice3A_60, %slice3A_61, %slice3A_62, %slice3A_63 in 1 : vector<320x32xf32>, vector<320x32xf32>, vector<320x32xf32>, vector<320x32xf32> -> vector<320x128xf32>
    %swap3A = arith.constant 0 : index
    %swap3A_64 = arith.constant 0 : index
    %swap3A_65 = arith.constant 0 : index
    %swap3A_66 = vector.load %arg12[%swap3A, %swap3A_64, %swap3A_65] : memref<2x320x128xf32, #tpu.memory_space<vmem>>, vector<1x320x128xf32>
    %swap3A_67 = vector.shape_cast %swap3A_66 : vector<1x320x128xf32> to vector<320x128xf32>
    %swap3A_68 = vector.shape_cast %concatenate3A : vector<320x128xf32> to vector<1x320x128xf32>
    tpu.vector_store %arg12[%swap3A, %swap3A_64, %swap3A_65], %swap3A_68 {strides = array<i32>} : memref<2x320x128xf32, #tpu.memory_space<vmem>>, vector<1x320x128xf32>,
    %slice3A_69 = vector.extract_strided_slice %add3A_59 {offsets = [0, 32], sizes = [1280, 32], strides = [1, 1]} : vector<1280x64xf32> to vector<1280x32xf32>
    %slice3A_70 = vector.extract_strided_slice %slice3A_69 {offsets = [0, 0], sizes = [320, 32], strides = [1, 1]} : vector<1280x32xf32> to vector<320x32xf32>
    %slice3A_71 = vector.extract_strided_slice %slice3A_69 {offsets = [320, 0], sizes = [320, 32], strides = [1, 1]} : vector<1280x32xf32> to vector<320x32xf32>
    %slice3A_72 = vector.extract_strided_slice %slice3A_69 {offsets = [640, 0], sizes = [320, 32], strides = [1, 1]} : vector<1280x32xf32> to vector<320x32xf32>
    %slice3A_73 = vector.extract_strided_slice %slice3A_69 {offsets = [960, 0], sizes = [320, 32], strides = [1, 1]} : vector<1280x32xf32> to vector<320x32xf32>
    %concatenate3A_74 = tpu.concatenate %slice3A_70, %slice3A_71, %slice3A_72, %slice3A_73 in 1 : vector<320x32xf32>, vector<320x32xf32>, vector<320x32xf32>, vector<320x32xf32> -> vector<320x128xf32>
    %swap3A_75 = arith.constant 1 : index
    %swap3A_76 = arith.constant 0 : index
    %swap3A_77 = arith.constant 0 : index
    %swap3A_78 = vector.load %arg12[%swap3A_75, %swap3A_76, %swap3A_77] : memref<2x320x128xf32, #tpu.memory_space<vmem>>, vector<1x320x128xf32>
    %swap3A_79 = vector.shape_cast %swap3A_78 : vector<1x320x128xf32> to vector<320x128xf32>
    %swap3A_80 = vector.shape_cast %concatenate3A_74 : vector<320x128xf32> to vector<1x320x128xf32>
    tpu.vector_store %arg12[%swap3A_75, %swap3A_76, %swap3A_77], %swap3A_80 {strides = array<i32>} : memref<2x320x128xf32, #tpu.memory_space<vmem>>, vector<1x320x128xf32>,
    return
  }
  func.func @transform_0(%arg0: i32) -> (i32, i32) {
    %c0_i32 = arith.constant 0 : i32
    %c0_i32_0 = arith.constant 0 : i32
    return %arg0, %c0_i32 : i32, i32
  }
  func.func @transform_1(%arg0: i32) -> (i32, i32) {
    %c0_i32 = arith.constant 0 : i32
    %c0_i32_0 = arith.constant 0 : i32
    return %c0_i32, %arg0 : i32, i32
  }
  func.func @transform_2(%arg0: i32) -> (i32, i32) {
    %c0_i32 = arith.constant 0 : i32
    %c0_i32_0 = arith.constant 0 : i32
    return %c0_i32, %arg0 : i32, i32
  }
  func.func @transform_3(%arg0: i32) -> (i32, i32) {
    %c0_i32 = arith.constant 0 : i32
    %c0_i32_0 = arith.constant 0 : i32
    %c0_i32_1 = arith.constant 0 : i32
    return %c0_i32, %c0_i32_0 : i32, i32
  }
  func.func @transform_4(%arg0: i32) -> (i32, i32) {
    %c0_i32 = arith.constant 0 : i32
    %c0_i32_0 = arith.constant 0 : i32
    %c0_i32_1 = arith.constant 0 : i32
    return %c0_i32, %c0_i32_0 : i32, i32
  }
  func.func @transform_5(%arg0: i32) -> (i32, i32) {
    %c0_i32 = arith.constant 0 : i32
    %c0_i32_0 = arith.constant 0 : i32
    %c0_i32_1 = arith.constant 0 : i32
    return %c0_i32, %c0_i32_0 : i32, i32
  }
  func.func @transform_6(%arg0: i32) -> (i32, i32) {
    %c0_i32 = arith.constant 0 : i32
    %c0_i32_0 = arith.constant 0 : i32
    %c0_i32_1 = arith.constant 0 : i32
    return %c0_i32, %c0_i32_0 : i32, i32
  }
  func.func @transform_7(%arg0: i32) -> (i32, i32) {
    %c0_i32 = arith.constant 0 : i32
    %c0_i32_0 = arith.constant 0 : i32
    %c0_i32_1 = arith.constant 0 : i32
    return %c0_i32, %c0_i32_0 : i32, i32
  }
  func.func @transform_8(%arg0: i32) -> (i32, i32) {
    %c0_i32 = arith.constant 0 : i32
    %c0_i32_0 = arith.constant 0 : i32
    %c0_i32_1 = arith.constant 0 : i32
    return %c0_i32, %c0_i32_0 : i32, i32
  }
  func.func @transform_9(%arg0: i32) -> (i32, i32) {
    %c0_i32 = arith.constant 0 : i32
    %c0_i32_0 = arith.constant 0 : i32
    %c0_i32_1 = arith.constant 0 : i32
    return %c0_i32, %c0_i32_0 : i32, i32
  }
  func.func @transform_10(%arg0: i32) -> (i32, i32) {
    %c0_i32 = arith.constant 0 : i32
    %c0_i32_0 = arith.constant 0 : i32
    %c0_i32_1 = arith.constant 0 : i32
    return %c0_i32, %c0_i32_0 : i32, i32
  }
  func.func @transform_11(%arg0: i32) -> (i32, i32, i32) {
    %c0_i32 = arith.constant 0 : i32
    %c0_i32_0 = arith.constant 0 : i32
    %c0_i32_1 = arith.constant 0 : i32
    return %c0_i32, %arg0, %c0_i32_0 : i32, i32, i32
  }
}

module attributes {stable_mosaic.version = 14 : i64} {
  func.func @_update_body(%arg0: i32, %arg1: memref<1024x64xf32, #tpu.memory_space<vmem>>, %arg2: memref<2x1024x32xf32, #tpu.memory_space<vmem>>, %arg3: memref<128x64xf32, #tpu.memory_space<vmem>>, %arg4: memref<1x64xf32, #tpu.memory_space<vmem>>, %arg5: memref<128x128xf32, #tpu.memory_space<vmem>>, %arg6: memref<1x128xf32, #tpu.memory_space<vmem>>, %arg7: memref<1x128xf32, #tpu.memory_space<vmem>>, %arg8: memref<1x128xf32, #tpu.memory_space<vmem>>, %arg9: memref<128x64xf32, #tpu.memory_space<vmem>>, %arg10: memref<1x64xf32, #tpu.memory_space<vmem>>, %arg11: memref<1x64xf32, #tpu.memory_space<vmem>>, %arg12: memref<1x64xf32, #tpu.memory_space<vmem>>, %arg13: memref<1024x64xf32, #tpu.memory_space<vmem>>) attributes {dimension_semantics = [#tpu.dimension_semantics<arbitrary>], iteration_bounds = array<i64: 49>, scalar_prefetch = 0 : i64, scratch_operands = 0 : i64, tpu.core_type = #tpu.core_type<tc>, window_params = [{transform_indices = @transform_0, window_bounds = array<i64: 1024, 64>}, {transform_indices = @transform_1, window_bounds = array<i64: 2, 1024, 32>}, {pipeline_mode = #tpu.pipeline_mode<synchronous>, transform_indices = @transform_2, window_bounds = array<i64: 128, 64>}, {pipeline_mode = #tpu.pipeline_mode<synchronous>, transform_indices = @transform_3, window_bounds = array<i64: 1, 64>}, {pipeline_mode = #tpu.pipeline_mode<synchronous>, transform_indices = @transform_4, window_bounds = array<i64: 128, 128>}, {pipeline_mode = #tpu.pipeline_mode<synchronous>, transform_indices = @transform_5, window_bounds = array<i64: 1, 128>}, {pipeline_mode = #tpu.pipeline_mode<synchronous>, transform_indices = @transform_6, window_bounds = array<i64: 1, 128>}, {pipeline_mode = #tpu.pipeline_mode<synchronous>, transform_indices = @transform_7, window_bounds = array<i64: 1, 128>}, {pipeline_mode = #tpu.pipeline_mode<synchronous>, transform_indices = @transform_8, window_bounds = array<i64: 128, 64>}, {pipeline_mode = #tpu.pipeline_mode<synchronous>, transform_indices = @transform_9, window_bounds = array<i64: 1, 64>}, {pipeline_mode = #tpu.pipeline_mode<synchronous>, transform_indices = @transform_10, window_bounds = array<i64: 1, 64>}, {pipeline_mode = #tpu.pipeline_mode<synchronous>, transform_indices = @transform_11, window_bounds = array<i64: 1, 64>}, {transform_indices = @transform_12, window_bounds = array<i64: 1024, 64>}]} {
    %get3A = arith.constant 0 : index
    %get3A_0 = arith.constant 0 : index
    %get3A_1 = vector.load %arg1[%get3A, %get3A_0] : memref<1024x64xf32, #tpu.memory_space<vmem>>, vector<1024x64xf32>
    %get3A_2 = arith.constant 0 : index
    %get3A_3 = arith.constant 0 : index
    %get3A_4 = arith.constant 0 : index
    %get3A_5 = vector.load %arg2[%get3A_2, %get3A_3, %get3A_4] : memref<2x1024x32xf32, #tpu.memory_space<vmem>>, vector<1x1024x32xf32>
    %get3A_6 = vector.shape_cast %get3A_5 : vector<1x1024x32xf32> to vector<1024x32xf32>
    %get3A_7 = arith.constant 1 : index
    %get3A_8 = arith.constant 0 : index
    %get3A_9 = arith.constant 0 : index
    %get3A_10 = vector.load %arg2[%get3A_7, %get3A_8, %get3A_9] : memref<2x1024x32xf32, #tpu.memory_space<vmem>>, vector<1x1024x32xf32>
    %get3A_11 = vector.shape_cast %get3A_10 : vector<1x1024x32xf32> to vector<1024x32xf32>
    %concatenate3A = tpu.concatenate %get3A_1, %get3A_6, %get3A_11 in 1 : vector<1024x64xf32>, vector<1024x32xf32>, vector<1024x32xf32> -> vector<1024x128xf32>
    %get3A_12 = arith.constant 0 : index
    %get3A_13 = arith.constant 0 : index
    %get3A_14 = vector.load %arg3[%get3A_12, %get3A_13] : memref<128x64xf32, #tpu.memory_space<vmem>>, vector<128x64xf32>
    %dot_general3A = arith.constant dense<0.000000e+00> : vector<1024x64xf32>
    %dot_general3A_15 = tpu.matmul %concatenate3A, %get3A_14, %dot_general3A {dimension_numbers = #tpu.dot_dimension_numbers<[1], [0], [0], [1], [0, 0, 1, 1], [], []>, transpose_lhs_hint = false} : vector<1024x128xf32>, vector<128x64xf32>, vector<1024x64xf32> -> vector<1024x64xf32>
    %get3A_16 = arith.constant 0 : index
    %get3A_17 = arith.constant 0 : index
    %get3A_18 = vector.load %arg4[%get3A_16, %get3A_17] : memref<1x64xf32, #tpu.memory_space<vmem>>, vector<1x64xf32>
    %add3A = vector.broadcast %get3A_18 : vector<1x64xf32> to vector<1024x64xf32>
    %add3A_19 = arith.addf %dot_general3A_15, %add3A : vector<1024x64xf32>
    %logistic3A = arith.negf %add3A_19 : vector<1024x64xf32>
    %logistic3A_20 = math.exp %logistic3A : vector<1024x64xf32>
    %logistic3A_21 = arith.constant 1.000000e+00 : f32
    %logistic3A_22 = vector.broadcast %logistic3A_21 : f32 to vector<1024x64xf32>
    %logistic3A_23 = arith.addf %logistic3A_22, %logistic3A_20 : vector<1024x64xf32>
    %logistic3A_24 = arith.divf %logistic3A_22, %logistic3A_23 : vector<1024x64xf32>
    %get3A_25 = arith.constant 0 : index
    %get3A_26 = arith.constant 0 : index
    %get3A_27 = vector.load %arg5[%get3A_25, %get3A_26] : memref<128x128xf32, #tpu.memory_space<vmem>>, vector<128x128xf32>
    %dot_general3A_28 = arith.constant dense<0.000000e+00> : vector<1024x128xf32>
    %dot_general3A_29 = tpu.matmul %concatenate3A, %get3A_27, %dot_general3A_28 {dimension_numbers = #tpu.dot_dimension_numbers<[1], [0], [0], [1], [0, 0, 1, 1], [], []>, transpose_lhs_hint = false} : vector<1024x128xf32>, vector<128x128xf32>, vector<1024x128xf32> -> vector<1024x128xf32>
    %get3A_30 = arith.constant 0 : index
    %get3A_31 = arith.constant 0 : index
    %get3A_32 = vector.load %arg6[%get3A_30, %get3A_31] : memref<1x128xf32, #tpu.memory_space<vmem>>, vector<1x128xf32>
    %add3A_33 = vector.broadcast %get3A_32 : vector<1x128xf32> to vector<1024x128xf32>
    %add3A_34 = arith.addf %dot_general3A_29, %add3A_33 : vector<1024x128xf32>
    %reduce_sum3A = arith.constant dense<0.000000e+00> : vector<1024xf32>
    %reduce_sum3A_35 = vector.multi_reduction <add>, %add3A_34, %reduce_sum3A [1] : vector<1024x128xf32> to vector<1024xf32>
    %broadcast_in_dim3A = vector.shape_cast %reduce_sum3A_35 : vector<1024xf32> to vector<1024x1xf32>
    %div3A = arith.constant 1.280000e+02 : f32
    %div3A_36 = vector.broadcast %div3A : f32 to vector<1024x1xf32>
    %div3A_37 = arith.divf %broadcast_in_dim3A, %div3A_36 : vector<1024x1xf32>
    %sub3A = vector.broadcast %div3A_37 : vector<1024x1xf32> to vector<1024x128xf32>
    %sub3A_38 = arith.subf %add3A_34, %sub3A : vector<1024x128xf32>
    %square3A = arith.mulf %sub3A_38, %sub3A_38 : vector<1024x128xf32>
    %reduce_sum3A_39 = arith.constant dense<0.000000e+00> : vector<1024xf32>
    %reduce_sum3A_40 = vector.multi_reduction <add>, %square3A, %reduce_sum3A_39 [1] : vector<1024x128xf32> to vector<1024xf32>
    %broadcast_in_dim3A_41 = vector.shape_cast %reduce_sum3A_40 : vector<1024xf32> to vector<1024x1xf32>
    %div3A_42 = arith.constant 1.280000e+02 : f32
    %div3A_43 = vector.broadcast %div3A_42 : f32 to vector<1024x1xf32>
    %div3A_44 = arith.divf %broadcast_in_dim3A_41, %div3A_43 : vector<1024x1xf32>
    %sub3A_45 = vector.broadcast %div3A_37 : vector<1024x1xf32> to vector<1024x128xf32>
    %sub3A_46 = arith.subf %add3A_34, %sub3A_45 : vector<1024x128xf32>
    %add3A_47 = arith.constant 9.99999974E-6 : f32
    %add3A_48 = vector.broadcast %add3A_47 : f32 to vector<1024x1xf32>
    %add3A_49 = arith.addf %div3A_44, %add3A_48 : vector<1024x1xf32>
    %rsqrt3A = math.rsqrt %add3A_49 : vector<1024x1xf32>
    %mul3A = vector.broadcast %rsqrt3A : vector<1024x1xf32> to vector<1024x128xf32>
    %mul3A_50 = arith.mulf %sub3A_46, %mul3A : vector<1024x128xf32>
    %get3A_51 = arith.constant 0 : index
    %get3A_52 = arith.constant 0 : index
    %get3A_53 = vector.load %arg7[%get3A_51, %get3A_52] : memref<1x128xf32, #tpu.memory_space<vmem>>, vector<1x128xf32>
    %mul3A_54 = vector.broadcast %get3A_53 : vector<1x128xf32> to vector<1024x128xf32>
    %mul3A_55 = arith.mulf %mul3A_50, %mul3A_54 : vector<1024x128xf32>
    %get3A_56 = arith.constant 0 : index
    %get3A_57 = arith.constant 0 : index
    %get3A_58 = vector.load %arg8[%get3A_56, %get3A_57] : memref<1x128xf32, #tpu.memory_space<vmem>>, vector<1x128xf32>
    %add3A_59 = vector.broadcast %get3A_58 : vector<1x128xf32> to vector<1024x128xf32>
    %add3A_60 = arith.addf %mul3A_55, %add3A_59 : vector<1024x128xf32>
    %logistic3A_61 = arith.negf %add3A_60 : vector<1024x128xf32>
    %logistic3A_62 = math.exp %logistic3A_61 : vector<1024x128xf32>
    %logistic3A_63 = arith.constant 1.000000e+00 : f32
    %logistic3A_64 = vector.broadcast %logistic3A_63 : f32 to vector<1024x128xf32>
    %logistic3A_65 = arith.addf %logistic3A_64, %logistic3A_62 : vector<1024x128xf32>
    %logistic3A_66 = arith.divf %logistic3A_64, %logistic3A_65 : vector<1024x128xf32>
    %mul3A_67 = arith.mulf %add3A_60, %logistic3A_66 : vector<1024x128xf32>
    %get3A_68 = arith.constant 0 : index
    %get3A_69 = arith.constant 0 : index
    %get3A_70 = vector.load %arg9[%get3A_68, %get3A_69] : memref<128x64xf32, #tpu.memory_space<vmem>>, vector<128x64xf32>
    %dot_general3A_71 = arith.constant dense<0.000000e+00> : vector<1024x64xf32>
    %dot_general3A_72 = tpu.matmul %mul3A_67, %get3A_70, %dot_general3A_71 {dimension_numbers = #tpu.dot_dimension_numbers<[1], [0], [0], [1], [0, 0, 1, 1], [], []>, transpose_lhs_hint = false} : vector<1024x128xf32>, vector<128x64xf32>, vector<1024x64xf32> -> vector<1024x64xf32>
    %get3A_73 = arith.constant 0 : index
    %get3A_74 = arith.constant 0 : index
    %get3A_75 = vector.load %arg10[%get3A_73, %get3A_74] : memref<1x64xf32, #tpu.memory_space<vmem>>, vector<1x64xf32>
    %add3A_76 = vector.broadcast %get3A_75 : vector<1x64xf32> to vector<1024x64xf32>
    %add3A_77 = arith.addf %dot_general3A_72, %add3A_76 : vector<1024x64xf32>
    %reduce_sum3A_78 = arith.constant dense<0.000000e+00> : vector<1024xf32>
    %reduce_sum3A_79 = vector.multi_reduction <add>, %add3A_77, %reduce_sum3A_78 [1] : vector<1024x64xf32> to vector<1024xf32>
    %broadcast_in_dim3A_80 = vector.shape_cast %reduce_sum3A_79 : vector<1024xf32> to vector<1024x1xf32>
    %div3A_81 = arith.constant 6.400000e+01 : f32
    %div3A_82 = vector.broadcast %div3A_81 : f32 to vector<1024x1xf32>
    %div3A_83 = arith.divf %broadcast_in_dim3A_80, %div3A_82 : vector<1024x1xf32>
    %sub3A_84 = vector.broadcast %div3A_83 : vector<1024x1xf32> to vector<1024x64xf32>
    %sub3A_85 = arith.subf %add3A_77, %sub3A_84 : vector<1024x64xf32>
    %square3A_86 = arith.mulf %sub3A_85, %sub3A_85 : vector<1024x64xf32>
    %reduce_sum3A_87 = arith.constant dense<0.000000e+00> : vector<1024xf32>
    %reduce_sum3A_88 = vector.multi_reduction <add>, %square3A_86, %reduce_sum3A_87 [1] : vector<1024x64xf32> to vector<1024xf32>
    %broadcast_in_dim3A_89 = vector.shape_cast %reduce_sum3A_88 : vector<1024xf32> to vector<1024x1xf32>
    %div3A_90 = arith.constant 6.400000e+01 : f32
    %div3A_91 = vector.broadcast %div3A_90 : f32 to vector<1024x1xf32>
    %div3A_92 = arith.divf %broadcast_in_dim3A_89, %div3A_91 : vector<1024x1xf32>
    %sub3A_93 = vector.broadcast %div3A_83 : vector<1024x1xf32> to vector<1024x64xf32>
    %sub3A_94 = arith.subf %add3A_77, %sub3A_93 : vector<1024x64xf32>
    %add3A_95 = arith.constant 9.99999974E-6 : f32
    %add3A_96 = vector.broadcast %add3A_95 : f32 to vector<1024x1xf32>
    %add3A_97 = arith.addf %div3A_92, %add3A_96 : vector<1024x1xf32>
    %rsqrt3A_98 = math.rsqrt %add3A_97 : vector<1024x1xf32>
    %mul3A_99 = vector.broadcast %rsqrt3A_98 : vector<1024x1xf32> to vector<1024x64xf32>
    %mul3A_100 = arith.mulf %sub3A_94, %mul3A_99 : vector<1024x64xf32>
    %get3A_101 = arith.constant 0 : index
    %get3A_102 = arith.constant 0 : index
    %get3A_103 = vector.load %arg11[%get3A_101, %get3A_102] : memref<1x64xf32, #tpu.memory_space<vmem>>, vector<1x64xf32>
    %mul3A_104 = vector.broadcast %get3A_103 : vector<1x64xf32> to vector<1024x64xf32>
    %mul3A_105 = arith.mulf %mul3A_100, %mul3A_104 : vector<1024x64xf32>
    %get3A_106 = arith.constant 0 : index
    %get3A_107 = arith.constant 0 : index
    %get3A_108 = vector.load %arg12[%get3A_106, %get3A_107] : memref<1x64xf32, #tpu.memory_space<vmem>>, vector<1x64xf32>
    %add3A_109 = vector.broadcast %get3A_108 : vector<1x64xf32> to vector<1024x64xf32>
    %add3A_110 = arith.addf %mul3A_105, %add3A_109 : vector<1024x64xf32>
    %mul3A_111 = arith.mulf %logistic3A_24, %add3A_110 : vector<1024x64xf32>
    %add3A_112 = arith.addf %get3A_1, %mul3A_111 : vector<1024x64xf32>
    %swap3A = arith.constant 0 : index
    %swap3A_113 = arith.constant 0 : index
    %swap3A_114 = vector.load %arg13[%swap3A, %swap3A_113] : memref<1024x64xf32, #tpu.memory_space<vmem>>, vector<1024x64xf32>
    tpu.vector_store %arg13[%swap3A, %swap3A_113], %add3A_112 {strides = array<i32>} : memref<1024x64xf32, #tpu.memory_space<vmem>>, vector<1024x64xf32>,
    return
  }
  func.func @transform_0(%arg0: i32) -> (i32, i32) {
    %c0_i32 = arith.constant 0 : i32
    %c0_i32_0 = arith.constant 0 : i32
    return %arg0, %c0_i32 : i32, i32
  }
  func.func @transform_1(%arg0: i32) -> (i32, i32, i32) {
    %c0_i32 = arith.constant 0 : i32
    %c0_i32_0 = arith.constant 0 : i32
    %c0_i32_1 = arith.constant 0 : i32
    return %c0_i32, %arg0, %c0_i32_0 : i32, i32, i32
  }
  func.func @transform_2(%arg0: i32) -> (i32, i32) {
    %c0_i32 = arith.constant 0 : i32
    %c0_i32_0 = arith.constant 0 : i32
    %c0_i32_1 = arith.constant 0 : i32
    return %c0_i32, %c0_i32_0 : i32, i32
  }
  func.func @transform_3(%arg0: i32) -> (i32, i32) {
    %c0_i32 = arith.constant 0 : i32
    %c0_i32_0 = arith.constant 0 : i32
    %c0_i32_1 = arith.constant 0 : i32
    return %c0_i32, %c0_i32_0 : i32, i32
  }
  func.func @transform_4(%arg0: i32) -> (i32, i32) {
    %c0_i32 = arith.constant 0 : i32
    %c0_i32_0 = arith.constant 0 : i32
    %c0_i32_1 = arith.constant 0 : i32
    return %c0_i32, %c0_i32_0 : i32, i32
  }
  func.func @transform_5(%arg0: i32) -> (i32, i32) {
    %c0_i32 = arith.constant 0 : i32
    %c0_i32_0 = arith.constant 0 : i32
    %c0_i32_1 = arith.constant 0 : i32
    return %c0_i32, %c0_i32_0 : i32, i32
  }
  func.func @transform_6(%arg0: i32) -> (i32, i32) {
    %c0_i32 = arith.constant 0 : i32
    %c0_i32_0 = arith.constant 0 : i32
    %c0_i32_1 = arith.constant 0 : i32
    return %c0_i32, %c0_i32_0 : i32, i32
  }
  func.func @transform_7(%arg0: i32) -> (i32, i32) {
    %c0_i32 = arith.constant 0 : i32
    %c0_i32_0 = arith.constant 0 : i32
    %c0_i32_1 = arith.constant 0 : i32
    return %c0_i32, %c0_i32_0 : i32, i32
  }
  func.func @transform_8(%arg0: i32) -> (i32, i32) {
    %c0_i32 = arith.constant 0 : i32
    %c0_i32_0 = arith.constant 0 : i32
    %c0_i32_1 = arith.constant 0 : i32
    return %c0_i32, %c0_i32_0 : i32, i32
  }
  func.func @transform_9(%arg0: i32) -> (i32, i32) {
    %c0_i32 = arith.constant 0 : i32
    %c0_i32_0 = arith.constant 0 : i32
    %c0_i32_1 = arith.constant 0 : i32
    return %c0_i32, %c0_i32_0 : i32, i32
  }
  func.func @transform_10(%arg0: i32) -> (i32, i32) {
    %c0_i32 = arith.constant 0 : i32
    %c0_i32_0 = arith.constant 0 : i32
    %c0_i32_1 = arith.constant 0 : i32
    return %c0_i32, %c0_i32_0 : i32, i32
  }
  func.func @transform_11(%arg0: i32) -> (i32, i32) {
    %c0_i32 = arith.constant 0 : i32
    %c0_i32_0 = arith.constant 0 : i32
    %c0_i32_1 = arith.constant 0 : i32
    return %c0_i32, %c0_i32_0 : i32, i32
  }
  func.func @transform_12(%arg0: i32) -> (i32, i32) {
    %c0_i32 = arith.constant 0 : i32
    %c0_i32_0 = arith.constant 0 : i32
    return %arg0, %c0_i32 : i32, i32
  }
}

</mosaic_0001>

<sc_bundles>
// kernel: gather_offload_async_start
scs
__scs_entry_jumppad:
0x0: {  	(pc) =	sbr.rel $0x88, $3  }
0x1: {  	(tag) =	ssettag $0x0;
	lr =	simm.s32 $0x1  }
0x2: {  	[smem:$0x3F8D] =	sst lr;
	_ =	strace $0xD0000000  }
0x3: {  	_ = 	snop  }
0x4: {  	_ = 	snop  }
0x5: {  	_ = 	snop  }
0x6: {  	_ = 	snop  }
0x7: {  	_ = 	snop  }
__scs_overlays_trampoline_lowered:
0x8: {  	[smem:$0x3F9C] =	sst s0  }
0x9: {  	[smem:$0x3F9D] =	sst s1  }
0xa: {  	[smem:$0x3F9E] =	sst s2  }
0xb: {  	[smem:$0x3F9F] =	sst s3  }
0xc: {  	[smem:$0x3FA0] =	sst s4  }
0xd: {  	[smem:$0x3FA1] =	sst s5  }
0xe: {  	[smem:$0x3FA2] =	sst s6  }
0xf: {  	[smem:$0x3FA3] =	sst s7  }
0x10: {  	[smem:$0x3FA4] =	sst s8  }
0x11: {  	[smem:$0x3FA5] =	sst s9;
	s0 =	simm.s32 @!p0 $0x0  }
0x12: {  	s1 =	sld [smem:$0x3F8B];
	s0 =	simm.s32 @p0 $0x1  }
0x13: {  	[smem:$0x3FA6] =	sst s0;
	s0 =	simm.s32 @!p1 $0x0  }
0x14: {  	s2 =	sld [smem:$0x3F8A];
	s0 =	simm.s32 @p1 $0x1  }
0x15: {  	[smem:$0x3FA7] =	sst s0;
	s0 =	simm.s32 @!p2 $0x0  }
0x16: {  	s3 =	sld [smem:$0x3FDB];
	s0 =	simm.s32 @p2 $0x1  }
0x17: {  	s4 =	simm.s32 $0x1BF5;
	[smem:$0x3FA9] =	sst s0  }
0x18: {  	s0 =	sld [smem:$0x3F8C];
	_ =	swait.ge [sflag:s4], $0x0  }
0x19: {  	s7 =	sld [smem:$0x3F8D]  }
0x1a: {  	s8 =	sadd.s32 $0xFFFFE003, lr  }
0x1b: {  	s9 =	sadd.s32 $0xFFFFFEF7, lr;
	s5 =	simm.s32 $0xFFFFFFFF;
	p2 =	slt.u32 s8, $0xFFFFF086  }
0x1c: {  	p1 =	slt.u32 s9, $0xF7A;
	s5 =	simm.s32 @!p2 $0x0  }
0x1d: {  	s5 =	simm.s32 @p1 $0x1;
	p0 =	seq.s32 s7, s2  }
0x1e: {  	s7 =	smul.u32 @!p0 $0xF7A, s2;
	p2 =	seq.s32 @!p0 s5, $0x0  }
0x1f: {  	s9 =	smul.u32 $0xF7A, s1;
	s8 =	simm.s32 @!p0 $0x1BF5;
	p2 =	por !p2, p0  }
0x20: {  	[sflag:s8] =	ssyncset.s32 @!p0 $0xFFFFF086;
	s6 =	sadd.s32 @!p0 s3, s7;
	s7 =	simm.s32 @!p0 $0x108  }
0x21: {  	s3 =	sadd.s32 s3, s9;
	s6 =	sadd.s32 @!p0 $0x88, s6;
	s7 =	simm.s32 @p2 $0x1082  }
0x22: {  	[simem:s7], [sflag:s8] =	dma.local @!p0 [hbm:s6], $0xF7A  }
0x23: {  	s9 =	sor.u32 $0xD0000000, s2;
	s6 =	simm.s32 $0x108;
	_ =	swait.ge @!p0 [sflag:s8], $0x0  }
0x24: {  	s3 =	sadd.s32 $0x88, s3;
	s6 =	simm.s32 @!p1 $0x1082;
	[sflag:s4] =	ssyncset.s32 $0xFFFFF086  }
0x25: {  	[simem:s6], [sflag:s4] =	dma.local [hbm:s3], $0xF7A  }
0x26: {  	[smem:$0x3F8D] =	sst s1;
	(tag) =	ssettag s2;
	_ =	strace s9  }
0x27: {  	s1 =	sld [smem:$0x3F9D]  }
0x28: {  	s2 =	sld [smem:$0x3F9E]  }
0x29: {  	s4 =	sld [smem:$0x3FA0]  }
0x2a: {  	p0 =	seq.s32 s5, $0x0;
	s5 =	sld [smem:$0x3FA1]  }
0x2b: {  	s6 =	sld [smem:$0x3FA2]  }
0x2c: {  	s7 =	sld [smem:$0x3FA3]  }
0x2d: {  	s3 =	simm.s32 $0x108;
	s8 =	sld [smem:$0x3FA4]  }
0x2e: {  	s3 =	simm.s32 @!p0 $0x1082;
	s9 =	sld [smem:$0x3FA5]  }
0x2f: {  	lr =	sadd.s32 s0, s3;
	s0 =	sld [smem:$0x3F9C]  }
0x30: {  	s3 =	sld [smem:$0x3F9F]  }
0x31: {  	[smem:$0x3FA8] =	sst s10  }
0x32: {  	s10 =	sld [smem:$0x3FA6];
	_ =	sdelay $0x3  }
0x33: {  	p0 =	seq.s32 s10, $0x1;
	s10 =	sld [smem:$0x3FA8];
	_ =	sdelay $0x3  }
0x34: {  	[smem:$0x3FA8] =	sst s10  }
0x35: {  	s10 =	sld [smem:$0x3FA7];
	_ =	sdelay $0x3  }
0x36: {  	p1 =	seq.s32 s10, $0x1;
	s10 =	sld [smem:$0x3FA8];
	_ =	sdelay $0x3  }
0x37: {  	[smem:$0x3FA8] =	sst s10  }
0x38: {  	s10 =	sld [smem:$0x3FA9]  }
0x39: {  	_ = 	snop;
	(pc) =	sbr.ind lr, $3  }
0x3a: {  	_ = 	snop  }
0x3b: {  	_ = 	snop  }
0x3c: {  	p2 =	seq.s32 s10, $0x1;
	s10 =	sld [smem:$0x3FA8]  }
0x3d: {  	_ =	shalt  }
0x3e: {  	_ =	shalt  }
0x3f: {  	_ =	shalt  }
0x40: {  	_ =	shalt  }
0x41: {  	_ =	shalt  }
0x42: {  	_ =	shalt  }
0x43: {  	_ =	shalt  }
0x44: {  	_ =	shalt  }
0x45: {  	_ =	shalt  }
0x46: {  	_ =	shalt  }
0x47: {  	_ =	shalt  }
0x48: {  	_ =	shalt  }
0x49: {  	_ =	shalt  }
0x4a: {  	_ =	shalt  }
0x4b: {  	_ =	shalt  }
0x4c: {  	_ =	shalt  }
0x4d: {  	_ =	shalt  }
0x4e: {  	_ =	shalt  }
0x4f: {  	_ =	shalt  }
0x50: {  	_ =	shalt  }
0x51: {  	_ =	shalt  }
0x52: {  	_ =	shalt  }
0x53: {  	_ =	shalt  }
0x54: {  	_ =	shalt  }
0x55: {  	_ =	shalt  }
0x56: {  	_ =	shalt  }
0x57: {  	_ =	shalt  }
0x58: {  	_ =	shalt  }
0x59: {  	_ =	shalt  }
0x5a: {  	_ =	shalt  }
0x5b: {  	_ =	shalt  }
0x5c: {  	_ =	shalt  }
0x5d: {  	_ =	shalt  }
0x5e: {  	_ =	shalt  }
0x5f: {  	_ =	shalt  }
0x60: {  	_ =	shalt  }
0x61: {  	_ =	shalt  }
0x62: {  	_ =	shalt  }
0x63: {  	_ =	shalt  }
0x64: {  	_ =	shalt  }
0x65: {  	_ =	shalt  }
0x66: {  	_ =	shalt  }
0x67: {  	_ =	shalt  }
0x68: {  	_ =	shalt  }
0x69: {  	_ =	shalt  }
0x6a: {  	_ =	shalt  }
0x6b: {  	_ =	shalt  }
0x6c: {  	_ =	shalt  }
0x6d: {  	_ =	shalt  }
0x6e: {  	_ =	shalt  }
0x6f: {  	_ =	shalt  }
0x70: {  	_ =	shalt  }
0x71: {  	_ =	shalt  }
0x72: {  	_ =	shalt  }
0x73: {  	_ =	shalt  }
0x74: {  	_ =	shalt  }
0x75: {  	_ =	shalt  }
0x76: {  	_ =	shalt  }
0x77: {  	_ =	shalt  }
0x78: {  	_ =	shalt  }
0x79: {  	_ =	shalt  }
0x7a: {  	_ =	shalt  }
0x7b: {  	_ =	shalt  }
0x7c: {  	_ =	shalt  }
0x7d: {  	_ =	shalt  }
0x7e: {  	_ =	shalt  }
0x7f: {  	_ =	shalt  }
0x80: {  	_ =	shalt  }
0x81: {  	_ =	shalt  }
0x82: {  	_ =	shalt  }
0x83: {  	_ =	shalt  }
0x84: {  	_ =	shalt  }
0x85: {  	_ =	shalt  }
0x86: {  	_ =	shalt  }
0x87: {  	_ =	shalt  }
.Lfunc_end0:
.L_simem_size_0:
called_computation_lowered:
.L_overlay_start_0:
0x88: {  	s2 =	sld [smem:$0x3FD9]  }
0x89: {  	s3 =	sld [smem:$0x3FFE];
	_ =	sdelay $0x1  }
0x8a: {  	s1 =	srdreg.scid  }
0x8b: {  	s0 =	sand.u32 $0x1, s1  }
0x8c: {  	s17 =	sshll.u32 s0, $0xA;
	s2 =	sadd.s32 s3, s2  }
0x8d: {  	s2 =	sadd.s32 s2, s17  }
0x8e: {  	[smem:$0x3FB4] =	sst s2  }
0x8f: {  	_ = 	snop  }
0x90: {  	s2 =	sld [smem:$0x3FD0];
	(tm) =	ssettm $0x1  }
0x91: {  	s18 =	sld [smem:$0x3FFB];
	_ =	sdelay $0x3  }
0x92: {  	_ =	strace s18  }
0x93: {  	s3 =	sld [smem:$0x3FFC];
	_ =	sdelay $0x3  }
0x94: {  	_ =	strace s3  }
0x95: {  	s3 =	sld [smem:$0x3FFD];
	_ =	sdelay $0x3  }
0x96: {  	_ =	strace s3  }
0x97: {  	_ =	strace $0x8FFFFFFF  }
0x98: {  	s19 =	sld [smem:$0x3FDB];
	_ =	sdelay $0x1  }
0x99: {  	s4 =	simm.s32 $_scs_section_size  }
0x9a: {  	s5 =	simm.s32 $_size__tile_overlayer_lowered;
	s6 =	simm.s32 $_tile_overlayer_lowered  }
0x9b: {  	s22 =	simm.s32 $0x1BFF;
	s21 =	sshll.u32 s6, $0x1;
	s3 =	sadd.s32 s4, s19  }
0x9c: {  	s7 =	simm.s32 $0x0;
	s20 =	sshll.u32 s5, $0x1;
	s5 =	sadd.s32 s21, s3  }
0x9d: {  	[timem:s7], [sflag:s22] =	dma.local [hbm:s5], s20  }
0x9e: {  	_ =	swait.ge [sflag:s22], s20  }
0x9f: {  	s4 =	ssub.s32 $0x0, s20;
	[sflag:s22] =	ssyncset.done $0x0  }
0xa0: {  	[sflag:s22] =	ssyncadd.s32 s4;
	_ =	sdelay $0x1  }
0xa1: {  	s23 =	simm.s32 $0x1B8B  }
0xa2: {  	_ =	swait.ge [sflag:s23], $0x1  }
0xa3: {  	[sflag:s23] =	ssyncset.done $0x0  }
0xa4: {  	s25 =	simm.s32 $0x1B8E;
	s24 =	sld [smem:$0x3FFE];
	[sflag:s23] =	ssyncadd.s32 $0xFFFFFFFF  }
0xa5: {  	s26 =	simm.s32 $execute0_lowered;
	[smem:$0x3FD2] =	sst s25  }
0xa6: {  	s5 =	sshll.u32 s26, $0x1;
	_ =	strace $0x80000049;
	[dreg:$0x1] =	wrdreg $0xFFFFFFFF  }
0xa7: {  	s28 =	simm.s32 $_size_execute0_lowered;
	s3 =	sadd.s32 s3, s5;
	[dreg:$0x0] =	wrdreg $0x0  }
0xa8: {  	s5 =	sshll.u32 s28, $0x1;
	[dreg:$0x2] =	wrdreg s3  }
0xa9: {  	[dreg:$0x3] =	wrdreg s5  }
0xaa: {  	[dreg:$0x4] =	wrdreg $0xC0  }
0xab: {  	_ =	task [dreg:s7], $0x5FFFF  }
0xac: {  	[dreg:$0x1] =	wrdreg $0xFFFFFFFF  }
0xad: {  	[dreg:$0x0] =	wrdreg $0x60  }
0xae: {  	[dreg:$0x2] =	wrdreg s24  }
0xaf: {  	[dreg:$0x3] =	wrdreg s2  }
0xb0: {  	[dreg:$0x4] =	wrdreg $0x9  }
0xb1: {  	_ =	task.clear_ibuf [dreg:s7], $0x5FFFF;
	_ =	strace $0x90000049  }
0xb2: {  	s29 =	simm.s32 $0x9;
	_ =	strace $0x8000004B  }
0xb3: {  	_ =	swait.ge [sflag:s29], $0x1  }
0xb4: {  	[sflag:s29] =	ssyncadd.s32 $0xFFFFFFFF  }
0xb5: {  	_ =	strace $0x9000004B  }
0xb6: {  	_ =	sfence  }
0xb7: {  	s30 =	sld [smem:$0x0];
	_ =	sdelay $0x2  }
0xb8: {  	s31 =	sshll.u32 s1, $0xD;
	s1 =	sshrl.u32 s1, $0x2  }
0xb9: {  	s3 =	sand.u32 $0x4000, s31;
	s1 =	sadd.s32 s1, s30  }
0xba: {  	s0 =	sor.u32 s3, s0;
	s1 =	sshll.u32 s1, $0x11  }
0xbb: {  	s0 =	sor.u32 s1, s0  }
0xbc: {  	s0 =	sadd.s32 $0x8F2B, s0  }
0xbd: {  	[sflag:s0] =	ssyncadd.remote.s32 $0x1  }
0xbe: {  	_ =	sfence.sel $0xFFFF  }
0xbf: {  	[dreg:$0x0] =	wrdreg $0xFFFFFFFF;
	(pc) =	sbr.abs _section_cstart, $3  }
0xc0: {  	[dreg:$0x1] =	wrdreg $0xFFFFFFFF  }
0xc1: {  	_ =	task.clear_ibuf [dreg:s7], $0x2FFFF;
	_ =	strace $0x9FFFFFFF  }
0xc2: {  	(tm) =	ssettm $0x7FFFFFFF  }
0xc3: {  	_ =	shalt  }
tec
execute0_lowered:
.L_overlay_start_1:
0x0: {  	(tag) =	ssettag $0x1  }
0x1: {  	s8 =	rddreg [dreg:$0x0];
	s0 =	stileid.u32  }
0x2: {  	s1 =	srdreg.scid;
	s2 =	rddreg [dreg:$0x1]  }
0x3: {  	s5 =	simm.s32 $0x1;
	s9 =	simm.s32 $0x1;
	s10 =	simm.s32 $0x3  }
0x4: {  	s13 =	simm.s32 $0x0;
	s3 =	sand.u32 $0x1, s1;
	s4 =	sshll.u32 s0, $0x1  }
0x5: {  	s12 =	simm.s32 $0x0;
	s1 =	rddreg [dreg:$0x2];
	s6 =	sor.u32 s4, s3  }
0x6: {  	_ =	strace $0x8000004A;
	s3 =	sadd.s32 $0xDF000, s8;
	s4 =	smul.u32 $0x4E20, s6  }
0x7: {  	[sflag:s5] =	ssyncpa.u1 $0x0;
	p0 =	slt.u32 s6, $0x9;
	s6 =	simm.s32 $0x9C400  }
.Ltmp0:
0x8: {  	s6 =	simm.s32 @!p0 $0x0;
	s7 =	ssub.s32 $0xC3500, s4;
	(pc) =	sbr.rel .LBB2_1-.Ltmp0, $4  }
0x9: {  	s9 =	simm.s32 @!p0 $0x0;
	p0 =	sne.s32 s7, s6;
	s7 =	simm.s32 $0x1  }
0xa: {  	s8 =	sadd.s32 $0x713000, s8;
	s6 =	simm.s32 $0x2;
	s7 =	simm.s32 @!p0 $0x0  }
0xb: {  	s11 =	smov.u32 s4;
	[sflag:s6] =	ssyncpa.u1 $0x0;
	s7 =	sadd.s32 s9, s7  }
0xc: {  	vm0 =	vmmov $0xffff;
	[sflag:s10] =	ssyncpa.u1 $0x0;
	s10 =	simm.s32 $0x0;
	s9 =	sadd.s32 $0x1, s7  }
.LBB2_4:
0xd: {  	v2 =	vnsel vm1, $0x0, v2  }
0xe: {  	vm1 =	vgt.s32 v0, $0x0;
	v2 =	vmin.u32 v2, $0xC34FF  }
0xf: {  	v0 =	vnsel vm1, $0x0, v0  }
0x10: {  	v0 =	vmin.u32 v0, $0xC34FF  }
0x11: {  	[tilespmem:s18], [sflag:$0x1] =	stream.indirect_vreg.gather [hbm4b:s3+s10], $0x1, v1, vm0, $0x4038;
	[tilespmem:$0x13880] =	vst v63  }
0x12: {  	(ifvalue) =	ssetifvalue $0x7FFFFFFF  }
0x13: {  	[tilespmem:s15], [sflag:$0x1] =	stream.indirect_vreg.gather [hbm4b:s3+s10], $0x1, v2, vm0, $0x4038;
	[tilespmem:$0x13880] =	vst v63  }
0x14: {  	s29 =	sadd.s32 $0x10, s15;
	(ifvalue) =	ssetifvalue $0x7FFFFFFF  }
0x15: {  	[tilespmem:s29], [sflag:$0x1] =	stream.indirect_vreg.gather [hbm4b:s3+s10], $0x1, v0, vm0, $0x4038;
	[tilespmem:$0x13880] =	vst v63  }
0x16: {  	_ =	swait.ge [sflag:s5], $0x4E20  }
0x17: {  	s30 =	sshrl.u32 s13, $0x3;
	[sflag:s5] =	ssyncset.done $0x0  }
0x18: {  	s31 =	sand.u32 $0x7, s13;
	s15 =	sadd.s32 s2, s30;
	[sflag:s5] =	ssyncadd.s32 $0xFFFFB1E0  }
0x19: {  	[hbm4b:s15+s31] =	stream.linear.scatter [tilespmem:s14], [sflag:$0x3], $0x4E20, $0x38;
	[tilespmem:$0x13880] =	vst v63  }
.LBB2_5:
0x1a: {  	s15 =	sadd.s32 $0x9C400, s11  }
0x1b: {  	p1 =	sgt.s32 s15, $0xC34FF  }
0x1c: {  	s15 =	smov.u32 @p1 s4;
	p1 =	sne.s32 s12, s9  }
.Ltmp1:
0x1d: {  	p0 =	slt.u32 s12, $0x2;
	(pc) =	sbr.rel @!p1 .LBB2_6-.Ltmp1, $4  }
0x1e: {  	s14 =	simm.s32 @!p0 $0x3  }
0x1f: {  	_ =	swait.ge @!p0 [sflag:s14], $0x4E20  }
0x20: {  	s16 =	sadd.s32 $0x1, s12;
	s13 =	smov.u32 s11;
	[sflag:s14] =	ssyncset.done @!p0 $0x0  }
0x21: {  	s12 =	smov.u32 s16;
	s11 =	smov.u32 s15;
	[sflag:s14] =	ssyncadd.s32 @!p0 $0xFFFFB1E0  }
.LBB2_1:
0x22: {  	p0 =	sge.u32 s12, s7  }
0x23: {  	s14 =	sxor.u32 @!p0 $0x1, s12  }
0x24: {  	s14 =	smul.u32 @!p0 $0x13880, s14  }
0x25: {  	s31 =	sadd.s32 $0xFFFFFFFF, s12;
	s15 =	sshrl.u32 @!p0 s11, $0x3  }
0x26: {  	s16 =	sand.u32 @!p0 $0x7, s11;
	s15 =	sadd.s32 @!p0 s8, s15;
	s14 =	sshra.s32 @!p0 s14, $0x2  }
0x27: {  	[tilespmem:s14], [sflag:$0x2] =	stream.linear.gather @!p0 [hbm4b:s15+s16], $0x4E20, $0x38;
	[tilespmem:$0x13880] =	vst v63  }
0x28: {  	p0 =	sge.u32 s31, s7  }
.Ltmp2:
0x29: {  	_ = 	snop;
	(pc) =	sbr.rel @p0 .LBB2_5-.Ltmp2, $1  }
0x2a: {  	_ =	sdelay $0x3  }
0x2b: {  	s14 =	sand.u32 $0x1, s12  }
0x2c: {  	_ =	swait.ge [sflag:s6], $0x4E20;
	p0 =	seq.s32 s14, $0x1;
	s14 =	simm.s32 $0x4E20  }
0x2d: {  	[sflag:s6] =	ssyncset.done $0x0;
	s14 =	simm.s32 @!p0 $0x0  }
0x2e: {  	[sflag:s6] =	ssyncadd.s32 $0xFFFFB1E0;
	(ifvalue) =	ssetifvalue $0x7FFFFFFF;
	v0 =	vld.msk [tilespmem:s14+$0x0 ss:$0x1], $0xffff;
	_ =	sdelay $0x4  }
0x2f: {  	s15 =	sadd.s32 $0x10, s14;
	vm1 =	vgt.s32 v0, $0x0  }
0x30: {  	v2 =	vld.msk [tilespmem:s15+$0x0 ss:$0x1], $0xffff;
	v1 =	vnsel vm1, $0x0, v0  }
0x31: {  	v1 =	vmin.u32 v1, $0xC34FF;
	_ =	sdelay $0x2  }
0x32: {  	s17 =	simm.s32 $0x20;
	s14 =	sadd.s32 $0x9C40, s14;
	s16 =	sadd.s32 $0x10, s15  }
0x33: {  	s15 =	sadd.s32 $0x10, s14;
	s18 =	smov.u32 s14;
	v0 =	vld.msk [tilespmem:s16+$0x0 ss:$0x1], $0xffff;
	vm1 =	vgt.s32 v2, $0x0;
	(ifvalue) =	ssetifvalue $0x7FFFFFFF  }
.LBB2_3:
0x34: {  	[tilespmem:s18], [sflag:$0x1] =	stream.indirect_vreg.gather [hbm4b:s3+s10], $0x1, v1, vm0, $0x4038;
	[tilespmem:$0x13880] =	vst v63  }
0x35: {  	s17 =	sadd.s32 $0x10, s17  }
0x36: {  	v2 =	vnsel vm1, $0x0, v2;
	p0 =	slt.u32 s17, $0x4E10  }
.Ltmp3:
0x37: {  	s18 =	smov.u32 s15;
	v1 =	vmin.u32 v2, $0xC34FF;
	(pc) =	sbr.rel @p0 .LBB2_3-.Ltmp3, $3  }
0x38: {  	_ =	sdelay $0x1  }
0x39: {  	s16 =	sadd.s32 $0x10, s16  }
0x3a: {  	vm1 =	vgt.s32 v0, $0x0;
	s15 =	sadd.s32 $0x10, s15;
	v2 =	vmov v0;
	(ifvalue) =	ssetifvalue $0x7FFFFFFF;
	v0 =	vld.msk [tilespmem:s16+$0x0 ss:$0x1], $0xffff  }
.Ltmp4:
0x3b: {  	_ = 	snop;
	(pc) =	sbr.rel .LBB2_4-.Ltmp4, $1  }
0x3c: {  	_ =	sdelay $0x3  }
.LBB2_6:
0x3d: {  	_ =	sfence.sel $0x180000  }
0x3e: {  	s2 =	simm.s32 $0x2;
	[bflag:$0x0] =	sbarrier.arrive $0xFFFF  }
0x3f: {  	s30 =	simm.s32 $0x3;
	[sflag:s2] =	ssyncpa.u1 $0x1  }
0x40: {  	s31 =	simm.s32 $0x1;
	[sflag:s30] =	ssyncpa.u1 $0x1  }
0x41: {  	[sflag:s31] =	ssyncpa.u1 $0x1  }
0x42: {  	p0 =	sne.s32 s0, $0x0;
	_ =	strace $0x9000004A  }
0x43: {  	s0 =	sadd.s32 @!p0 $0x100000, s1;
	[bflag:$0x2] =	sbarrier.arrive $0xFFFF  }
0x44: {  	[sflag:s0] =	ssyncadd.tile.s32 @!p0 $0x1;
	_ =	shalt  }
.Lfunc_end2:
_tile_overlayer_lowered:
.L_overlay_start_2:
0x45: {  	(tag) =	ssettag $0x2  }
0x46: {  	s0 =	rddreg [dreg:$0x0];
	s2 =	stileid.u32  }
0x47: {  	s1 =	rddreg [dreg:$0x1];
	p0 =	sne.s32 s2, $0x0  }
0x48: {  	s3 =	rddreg [dreg:$0x2];
	[bflag:$0x3] =	sbarrier.arrive $0xFFFF;
	s2 =	simm.s32 @!p0 $0x1C01  }
0x49: {  	[timem:s3], [sflag:s2] =	dma.local @!p0 [hbm:s0], s1  }
0x4a: {  	s0 =	simm.s32 @!p0 $0x1  }
0x4b: {  	_ =	swait.ge @!p0 [sflag:s0], s1  }
0x4c: {  	s1 =	ssub.s32 @!p0 $0x0, s1;
	[sflag:s0] =	ssyncset.done @!p0 $0x0  }
0x4d: {  	[sflag:s0] =	ssyncadd.s32 @!p0 s1  }
0x4e: {  	[bflag:$0x3] =	sbarrier.arrive $0xFFFF  }
0x4f: {  	_ =	shalt  }

// kernel: kernel.6.cloned.1.call-start
scs
__scs_entry_jumppad:
0x0: {  	(pc) =	sbr.rel $0x88, $3  }
0x1: {  	(tag) =	ssettag $0x0;
	lr =	simm.s32 $0x1  }
0x2: {  	[smem:$0x3F8D] =	sst lr;
	_ =	strace $0xD0000000  }
0x3: {  	_ = 	snop  }
0x4: {  	_ = 	snop  }
0x5: {  	_ = 	snop  }
0x6: {  	_ = 	snop  }
0x7: {  	_ = 	snop  }
__scs_overlays_trampoline_lowered:
0x8: {  	[smem:$0x3F9C] =	sst s0  }
0x9: {  	[smem:$0x3F9D] =	sst s1  }
0xa: {  	[smem:$0x3F9E] =	sst s2  }
0xb: {  	[smem:$0x3F9F] =	sst s3  }
0xc: {  	[smem:$0x3FA0] =	sst s4  }
0xd: {  	[smem:$0x3FA1] =	sst s5  }
0xe: {  	[smem:$0x3FA2] =	sst s6  }
0xf: {  	[smem:$0x3FA3] =	sst s7  }
0x10: {  	[smem:$0x3FA4] =	sst s8  }
0x11: {  	[smem:$0x3FA5] =	sst s9;
	s0 =	simm.s32 @!p0 $0x0  }
0x12: {  	s1 =	sld [smem:$0x3F8B];
	s0 =	simm.s32 @p0 $0x1  }
0x13: {  	[smem:$0x3FA6] =	sst s0;
	s0 =	simm.s32 @!p1 $0x0  }
0x14: {  	s2 =	sld [smem:$0x3F8A];
	s0 =	simm.s32 @p1 $0x1  }
0x15: {  	[smem:$0x3FA7] =	sst s0;
	s0 =	simm.s32 @!p2 $0x0  }
0x16: {  	s3 =	sld [smem:$0x3FDB];
	s0 =	simm.s32 @p2 $0x1  }
0x17: {  	s4 =	simm.s32 $0x1BF5;
	[smem:$0x3FA9] =	sst s0  }
0x18: {  	s0 =	sld [smem:$0x3F8C];
	_ =	swait.ge [sflag:s4], $0x0  }
0x19: {  	s7 =	sld [smem:$0x3F8D]  }
0x1a: {  	s8 =	sadd.s32 $0xFFFFE003, lr  }
0x1b: {  	s9 =	sadd.s32 $0xFFFFFEF7, lr;
	s5 =	simm.s32 $0xFFFFFFFF;
	p2 =	slt.u32 s8, $0xFFFFF086  }
0x1c: {  	p1 =	slt.u32 s9, $0xF7A;
	s5 =	simm.s32 @!p2 $0x0  }
0x1d: {  	s5 =	simm.s32 @p1 $0x1;
	p0 =	seq.s32 s7, s2  }
0x1e: {  	s7 =	smul.u32 @!p0 $0xF7A, s2;
	p2 =	seq.s32 @!p0 s5, $0x0  }
0x1f: {  	s9 =	smul.u32 $0xF7A, s1;
	s8 =	simm.s32 @!p0 $0x1BF5;
	p2 =	por !p2, p0  }
0x20: {  	[sflag:s8] =	ssyncset.s32 @!p0 $0xFFFFF086;
	s6 =	sadd.s32 @!p0 s3, s7;
	s7 =	simm.s32 @!p0 $0x108  }
0x21: {  	s3 =	sadd.s32 s3, s9;
	s6 =	sadd.s32 @!p0 $0x88, s6;
	s7 =	simm.s32 @p2 $0x1082  }
0x22: {  	[simem:s7], [sflag:s8] =	dma.local @!p0 [hbm:s6], $0xF7A  }
0x23: {  	s9 =	sor.u32 $0xD0000000, s2;
	s6 =	simm.s32 $0x108;
	_ =	swait.ge @!p0 [sflag:s8], $0x0  }
0x24: {  	s3 =	sadd.s32 $0x88, s3;
	s6 =	simm.s32 @!p1 $0x1082;
	[sflag:s4] =	ssyncset.s32 $0xFFFFF086  }
0x25: {  	[simem:s6], [sflag:s4] =	dma.local [hbm:s3], $0xF7A  }
0x26: {  	[smem:$0x3F8D] =	sst s1;
	(tag) =	ssettag s2;
	_ =	strace s9  }
0x27: {  	s1 =	sld [smem:$0x3F9D]  }
0x28: {  	s2 =	sld [smem:$0x3F9E]  }
0x29: {  	s4 =	sld [smem:$0x3FA0]  }
0x2a: {  	p0 =	seq.s32 s5, $0x0;
	s5 =	sld [smem:$0x3FA1]  }
0x2b: {  	s6 =	sld [smem:$0x3FA2]  }
0x2c: {  	s7 =	sld [smem:$0x3FA3]  }
0x2d: {  	s3 =	simm.s32 $0x108;
	s8 =	sld [smem:$0x3FA4]  }
0x2e: {  	s3 =	simm.s32 @!p0 $0x1082;
	s9 =	sld [smem:$0x3FA5]  }
0x2f: {  	lr =	sadd.s32 s0, s3;
	s0 =	sld [smem:$0x3F9C]  }
0x30: {  	s3 =	sld [smem:$0x3F9F]  }
0x31: {  	[smem:$0x3FA8] =	sst s10  }
0x32: {  	s10 =	sld [smem:$0x3FA6];
	_ =	sdelay $0x3  }
0x33: {  	p0 =	seq.s32 s10, $0x1;
	s10 =	sld [smem:$0x3FA8];
	_ =	sdelay $0x3  }
0x34: {  	[smem:$0x3FA8] =	sst s10  }
0x35: {  	s10 =	sld [smem:$0x3FA7];
	_ =	sdelay $0x3  }
0x36: {  	p1 =	seq.s32 s10, $0x1;
	s10 =	sld [smem:$0x3FA8];
	_ =	sdelay $0x3  }
0x37: {  	[smem:$0x3FA8] =	sst s10  }
0x38: {  	s10 =	sld [smem:$0x3FA9]  }
0x39: {  	_ = 	snop;
	(pc) =	sbr.ind lr, $3  }
0x3a: {  	_ = 	snop  }
0x3b: {  	_ = 	snop  }
0x3c: {  	p2 =	seq.s32 s10, $0x1;
	s10 =	sld [smem:$0x3FA8]  }
0x3d: {  	_ =	shalt  }
0x3e: {  	_ =	shalt  }
0x3f: {  	_ =	shalt  }
0x40: {  	_ =	shalt  }
0x41: {  	_ =	shalt  }
0x42: {  	_ =	shalt  }
0x43: {  	_ =	shalt  }
0x44: {  	_ =	shalt  }
0x45: {  	_ =	shalt  }
0x46: {  	_ =	shalt  }
0x47: {  	_ =	shalt  }
0x48: {  	_ =	shalt  }
0x49: {  	_ =	shalt  }
0x4a: {  	_ =	shalt  }
0x4b: {  	_ =	shalt  }
0x4c: {  	_ =	shalt  }
0x4d: {  	_ =	shalt  }
0x4e: {  	_ =	shalt  }
0x4f: {  	_ =	shalt  }
0x50: {  	_ =	shalt  }
0x51: {  	_ =	shalt  }
0x52: {  	_ =	shalt  }
0x53: {  	_ =	shalt  }
0x54: {  	_ =	shalt  }
0x55: {  	_ =	shalt  }
0x56: {  	_ =	shalt  }
0x57: {  	_ =	shalt  }
0x58: {  	_ =	shalt  }
0x59: {  	_ =	shalt  }
0x5a: {  	_ =	shalt  }
0x5b: {  	_ =	shalt  }
0x5c: {  	_ =	shalt  }
0x5d: {  	_ =	shalt  }
0x5e: {  	_ =	shalt  }
0x5f: {  	_ =	shalt  }
0x60: {  	_ =	shalt  }
0x61: {  	_ =	shalt  }
0x62: {  	_ =	shalt  }
0x63: {  	_ =	shalt  }
0x64: {  	_ =	shalt  }
0x65: {  	_ =	shalt  }
0x66: {  	_ =	shalt  }
0x67: {  	_ =	shalt  }
0x68: {  	_ =	shalt  }
0x69: {  	_ =	shalt  }
0x6a: {  	_ =	shalt  }
0x6b: {  	_ =	shalt  }
0x6c: {  	_ =	shalt  }
0x6d: {  	_ =	shalt  }
0x6e: {  	_ =	shalt  }
0x6f: {  	_ =	shalt  }
0x70: {  	_ =	shalt  }
0x71: {  	_ =	shalt  }
0x72: {  	_ =	shalt  }
0x73: {  	_ =	shalt  }
0x74: {  	_ =	shalt  }
0x75: {  	_ =	shalt  }
0x76: {  	_ =	shalt  }
0x77: {  	_ =	shalt  }
0x78: {  	_ =	shalt  }
0x79: {  	_ =	shalt  }
0x7a: {  	_ =	shalt  }
0x7b: {  	_ =	shalt  }
0x7c: {  	_ =	shalt  }
0x7d: {  	_ =	shalt  }
0x7e: {  	_ =	shalt  }
0x7f: {  	_ =	shalt  }
0x80: {  	_ =	shalt  }
0x81: {  	_ =	shalt  }
0x82: {  	_ =	shalt  }
0x83: {  	_ =	shalt  }
0x84: {  	_ =	shalt  }
0x85: {  	_ =	shalt  }
0x86: {  	_ =	shalt  }
0x87: {  	_ =	shalt  }
.Lfunc_end0:
.L_simem_size_0:
called_computation.1_lowered:
.L_overlay_start_0:
0x88: {  	s2 =	sld [smem:$0x3FD9]  }
0x89: {  	s3 =	sld [smem:$0x3FFE];
	_ =	sdelay $0x1  }
0x8a: {  	s1 =	srdreg.scid  }
0x8b: {  	s0 =	sand.u32 $0x1, s1  }
0x8c: {  	s17 =	sshll.u32 s0, $0xA;
	s2 =	sadd.s32 s3, s2  }
0x8d: {  	s2 =	sadd.s32 s2, s17  }
0x8e: {  	[smem:$0x3FB4] =	sst s2  }
0x8f: {  	_ = 	snop  }
0x90: {  	s2 =	sld [smem:$0x3FD0];
	(tm) =	ssettm $0x1  }
0x91: {  	s18 =	sld [smem:$0x3FFB];
	_ =	sdelay $0x3  }
0x92: {  	_ =	strace s18  }
0x93: {  	s3 =	sld [smem:$0x3FFC];
	_ =	sdelay $0x3  }
0x94: {  	_ =	strace s3  }
0x95: {  	s3 =	sld [smem:$0x3FFD];
	_ =	sdelay $0x3  }
0x96: {  	_ =	strace s3  }
0x97: {  	_ =	strace $0x8FFFFFFF  }
0x98: {  	s19 =	sld [smem:$0x3FDB];
	_ =	sdelay $0x1  }
0x99: {  	s4 =	simm.s32 $_scs_section_size  }
0x9a: {  	s5 =	simm.s32 $_size__tile_overlayer_lowered;
	s6 =	simm.s32 $_tile_overlayer_lowered  }
0x9b: {  	s22 =	simm.s32 $0x1BFF;
	s21 =	sshll.u32 s6, $0x1;
	s3 =	sadd.s32 s4, s19  }
0x9c: {  	s7 =	simm.s32 $0x0;
	s20 =	sshll.u32 s5, $0x1;
	s5 =	sadd.s32 s21, s3  }
0x9d: {  	[timem:s7], [sflag:s22] =	dma.local [hbm:s5], s20  }
0x9e: {  	_ =	swait.ge [sflag:s22], s20  }
0x9f: {  	s4 =	ssub.s32 $0x0, s20;
	[sflag:s22] =	ssyncset.done $0x0  }
0xa0: {  	[sflag:s22] =	ssyncadd.s32 s4;
	_ =	sdelay $0x1  }
0xa1: {  	s23 =	simm.s32 $0x1B8B  }
0xa2: {  	_ =	swait.ge [sflag:s23], $0x1  }
0xa3: {  	[sflag:s23] =	ssyncset.done $0x0  }
0xa4: {  	s25 =	simm.s32 $0x1B8E;
	s24 =	sld [smem:$0x3FFE];
	[sflag:s23] =	ssyncadd.s32 $0xFFFFFFFF  }
0xa5: {  	s26 =	simm.s32 $execute0_lowered;
	[smem:$0x3FD2] =	sst s25  }
0xa6: {  	s5 =	sshll.u32 s26, $0x1;
	_ =	strace $0x80000046;
	[dreg:$0x1] =	wrdreg $0xFFFFFFFF  }
0xa7: {  	s28 =	simm.s32 $_size_execute0_lowered;
	s3 =	sadd.s32 s3, s5;
	[dreg:$0x0] =	wrdreg $0x0  }
0xa8: {  	s5 =	sshll.u32 s28, $0x1;
	[dreg:$0x2] =	wrdreg s3  }
0xa9: {  	[dreg:$0x3] =	wrdreg s5  }
0xaa: {  	[dreg:$0x4] =	wrdreg $0xC0  }
0xab: {  	_ =	task [dreg:s7], $0x5FFFF  }
0xac: {  	[dreg:$0x1] =	wrdreg $0xFFFFFFFF  }
0xad: {  	[dreg:$0x0] =	wrdreg $0x60  }
0xae: {  	[dreg:$0x2] =	wrdreg s2  }
0xaf: {  	[dreg:$0x3] =	wrdreg s24  }
0xb0: {  	[dreg:$0x4] =	wrdreg $0x9  }
0xb1: {  	_ =	task.clear_ibuf [dreg:s7], $0x5FFFF;
	_ =	strace $0x90000046  }
0xb2: {  	s29 =	simm.s32 $0x9;
	_ =	strace $0x80000048  }
0xb3: {  	_ =	swait.ge [sflag:s29], $0x1  }
0xb4: {  	[sflag:s29] =	ssyncadd.s32 $0xFFFFFFFF  }
0xb5: {  	_ =	strace $0x90000048  }
0xb6: {  	_ =	sfence  }
0xb7: {  	s30 =	sld [smem:$0x0];
	_ =	sdelay $0x2  }
0xb8: {  	s31 =	sshll.u32 s1, $0xD;
	s1 =	sshrl.u32 s1, $0x2  }
0xb9: {  	s3 =	sand.u32 $0x4000, s31;
	s1 =	sadd.s32 s1, s30  }
0xba: {  	s0 =	sor.u32 s3, s0;
	s1 =	sshll.u32 s1, $0x11  }
0xbb: {  	s0 =	sor.u32 s1, s0  }
0xbc: {  	s0 =	sadd.s32 $0x8F2B, s0  }
0xbd: {  	[sflag:s0] =	ssyncadd.remote.s32 $0x1  }
0xbe: {  	_ =	sfence.sel $0xFFFF  }
0xbf: {  	[dreg:$0x0] =	wrdreg $0xFFFFFFFF;
	(pc) =	sbr.abs _section_cstart, $3  }
0xc0: {  	[dreg:$0x1] =	wrdreg $0xFFFFFFFF  }
0xc1: {  	_ =	task.clear_ibuf [dreg:s7], $0x2FFFF;
	_ =	strace $0x9FFFFFFF  }
0xc2: {  	(tm) =	ssettm $0x7FFFFFFF  }
0xc3: {  	_ =	shalt  }
tec
execute0_lowered:
.L_overlay_start_1:
0x0: {  	(tag) =	ssettag $0x1  }
0x1: {  	s2 =	rddreg [dreg:$0x0]  }
0x2: {  	s4 =	rddreg [dreg:$0x1]  }
0x3: {  	s0 =	rddreg [dreg:$0x2];
	s5 =	srdreg.scid  }
0x4: {  	s1 =	stileid.u32;
	s3 =	simm.s32 $0x0;
	s14 =	simm.s32 $0x4200  }
0x5: {  	s15 =	simm.s32 $0x180;
	s16 =	simm.s32 $0x6200;
	s17 =	simm.s32 $0x1  }
0x6: {  	s18 =	simm.s32 $0x28;
	s19 =	simm.s32 $0x0;
	s5 =	sand.u32 $0x1, s5  }
0x7: {  	s6 =	sshll.u32 s1, $0x1;
	[smem:$0x7FF] =	sst s3;
	s9 =	smul.u32 $0x61A80, s1  }
0x8: {  	s8 =	sadd.s32 $0xC6800, s4;
	s11 =	smul.u32 $0xC350, s1;
	s6 =	sor.u32 s5, s6  }
0x9: {  	s7 =	sadd.s32 $0xF7800, s4;
	s29 =	ssub.s32 $0x2, s5;
	s6 =	smul.u32 $0x61A8, s6  }
0xa: {  	_ =	strace $0x80000047;
	s12 =	smul.u32 $0x61A8, s5;
	s10 =	sshrl.u32 s29, $0x1  }
0xb: {  	s13 =	smul.u32 $0x30D40, s5;
	s10 =	ssub.s32 s29, s10;
	s6 =	sadd.s32 $0x6000, s6  }
0xc: {  	s31 =	sadd.s32 s12, s11;
	s11 =	simm.s32 $0x200;
	s30 =	sshrl.u32 s6, $0x3  }
0xd: {  	s12 =	simm.s32 $0x2200;
	s6 =	sshll.u32 s6, $0x3;
	s4 =	sadd.s32 s8, s30  }
0xe: {  	s5 =	sadd.s32 s7, s6;
	s7 =	sadd.s32 s9, s7;
	s6 =	smax.u32 s10, $0x1  }
0xf: {  	s9 =	sshrl.u32 s31, $0x3;
	s10 =	simm.s32 $0x80;
	s7 =	sadd.s32 s13, s7  }
0x10: {  	s8 =	sadd.s32 s9, s8;
	s9 =	simm.s32 $0x2;
	s13 =	simm.s32 $0x100  }
.LBB2_1:
0x11: {  	s20 =	sadd.s32 $0x0, s8  }
0x12: {  	[tilespmem:s3], [sflag:$0x2] =	stream.linear.gather [hbm4b:s20+s3], $0x200, $0x38;
	[tilespmem:$0x8200] =	vst v63  }
0x13: {  	_ =	swait.ge [sflag:s9], $0x200  }
0x14: {  	[sflag:s9] =	ssyncset.done $0x0  }
0x15: {  	[sflag:s9] =	ssyncadd.s32 $0xFFFFFE00  }
0x16: {  	[tilespmem:s11], [sflag:$0x1] =	stream.indirect.gather [hbm4b:s2+s10], $0x40, s3, s10, $0xb8;
	[tilespmem:$0x8200] =	vst v63  }
0x17: {  	_ = 	snop  }
0x18: {  	[tilespmem:s12], [sflag:$0x1] =	stream.indirect.gather [hbm4b:s2+s10], $0x40, s10, s10, $0xb8;
	[tilespmem:$0x8200] =	vst v63  }
0x19: {  	_ = 	snop  }
0x1a: {  	[tilespmem:s14], [sflag:$0x1] =	stream.indirect.gather [hbm4b:s2+s10], $0x40, s13, s10, $0xb8;
	[tilespmem:$0x8200] =	vst v63  }
0x1b: {  	_ = 	snop  }
0x1c: {  	[tilespmem:s16], [sflag:$0x1] =	stream.indirect.gather [hbm4b:s2+s10], $0x40, s15, s10, $0xb8;
	[tilespmem:$0x8200] =	vst v63  }
0x1d: {  	_ =	swait.ge [sflag:s17], $0x2000  }
0x1e: {  	[sflag:s17] =	ssyncset.done $0x0  }
0x1f: {  	[sflag:s17] =	ssyncadd.s32 $0xFFFFE000  }
0x20: {  	_ =	swait.ge [sflag:s17], $0x2000  }
0x21: {  	[sflag:s17] =	ssyncset.done $0x0  }
0x22: {  	[sflag:s17] =	ssyncadd.s32 $0xFFFFE000  }
0x23: {  	_ =	swait.ge [sflag:s17], $0x2000  }
0x24: {  	[sflag:s17] =	ssyncset.done $0x0  }
0x25: {  	[sflag:s17] =	ssyncadd.s32 $0xFFFFE000  }
0x26: {  	_ =	swait.ge [sflag:s17], $0x2000  }
0x27: {  	[sflag:s17] =	ssyncset.done $0x0  }
0x28: {  	[sflag:s17] =	ssyncadd.s32 $0xFFFFE000  }
0x29: {  	[hbm4b:s7+s3] =	stream.linear.scatter [tilespmem:s11], [sflag:$0x2], $0x8000, $0x38;
	[tilespmem:$0x8200] =	vst v63  }
0x2a: {  	s21 =	simm.s32 $0x40;
	_ =	swait.ge [sflag:s9], $0x8000  }
0x2b: {  	s22 =	simm.s32 $0x80;
	s20 =	sadd.s32 $0x1000, s7;
	[sflag:s9] =	ssyncset.done $0x0  }
.LBB2_2:
0x2c: {  	s23 =	sadd.s32 s21, s8  }
0x2d: {  	[sflag:s9] =	ssyncadd.s32 $0xFFFF8000;
	s21 =	smov.u32 s22;
	s24 =	sadd.s32 $0x40, s22  }
0x2e: {  	[tilespmem:s3], [sflag:$0x2] =	stream.linear.gather [hbm4b:s23+s3], $0x200, $0x38;
	[tilespmem:$0x8200] =	vst v63  }
0x2f: {  	p0 =	sne.s32 s22, $0xBC0;
	_ =	swait.ge [sflag:s9], $0x200  }
0x30: {  	[sflag:s9] =	ssyncset.done $0x0  }
0x31: {  	[sflag:s9] =	ssyncadd.s32 $0xFFFFFE00  }
0x32: {  	[tilespmem:s11], [sflag:$0x1] =	stream.indirect.gather [hbm4b:s2+s10], $0x40, s3, s10, $0xb8;
	[tilespmem:$0x8200] =	vst v63  }
0x33: {  	_ = 	snop  }
0x34: {  	[tilespmem:s12], [sflag:$0x1] =	stream.indirect.gather [hbm4b:s2+s10], $0x40, s10, s10, $0xb8;
	[tilespmem:$0x8200] =	vst v63  }
0x35: {  	_ = 	snop  }
0x36: {  	[tilespmem:s14], [sflag:$0x1] =	stream.indirect.gather [hbm4b:s2+s10], $0x40, s13, s10, $0xb8;
	[tilespmem:$0x8200] =	vst v63  }
0x37: {  	_ = 	snop  }
0x38: {  	[tilespmem:s16], [sflag:$0x1] =	stream.indirect.gather [hbm4b:s2+s10], $0x40, s15, s10, $0xb8;
	[tilespmem:$0x8200] =	vst v63  }
0x39: {  	_ =	swait.ge [sflag:s17], $0x2000  }
0x3a: {  	[sflag:s17] =	ssyncset.done $0x0  }
0x3b: {  	[sflag:s17] =	ssyncadd.s32 $0xFFFFE000  }
0x3c: {  	_ =	swait.ge [sflag:s17], $0x2000  }
0x3d: {  	[sflag:s17] =	ssyncset.done $0x0  }
0x3e: {  	[sflag:s17] =	ssyncadd.s32 $0xFFFFE000  }
0x3f: {  	_ =	swait.ge [sflag:s17], $0x2000  }
0x40: {  	[sflag:s17] =	ssyncset.done $0x0  }
0x41: {  	[sflag:s17] =	ssyncadd.s32 $0xFFFFE000  }
0x42: {  	_ =	swait.ge [sflag:s17], $0x2000  }
.Ltmp0:
0x43: {  	[sflag:s17] =	ssyncset.done $0x0;
	(pc) =	sbr.rel @p0 .LBB2_2-.Ltmp0, $4  }
0x44: {  	[sflag:s17] =	ssyncadd.s32 $0xFFFFE000  }
0x45: {  	[hbm4b:s20+s3] =	stream.linear.scatter [tilespmem:s11], [sflag:$0x2], $0x8000, $0x38;
	[tilespmem:$0x8200] =	vst v63  }
0x46: {  	_ =	swait.ge [sflag:s9], $0x8000  }
0x47: {  	s22 =	smov.u32 s24;
	s20 =	sadd.s32 $0x1000, s20;
	[sflag:s9] =	ssyncset.done $0x0  }
0x48: {  	s21 =	sadd.s32 s21, s8;
	[sflag:s9] =	ssyncadd.s32 $0xFFFF8000  }
0x49: {  	[tilespmem:s3], [sflag:$0x2] =	stream.linear.gather [hbm4b:s21+s3], $0x200, $0x38;
	[tilespmem:$0x8200] =	vst v63  }
0x4a: {  	_ =	swait.ge [sflag:s9], $0x200  }
0x4b: {  	[sflag:s9] =	ssyncset.done $0x0  }
0x4c: {  	[sflag:s9] =	ssyncadd.s32 $0xFFFFFE00  }
0x4d: {  	[tilespmem:s11], [sflag:$0x1] =	stream.indirect.gather [hbm4b:s2+s10], $0x40, s3, s10, $0xb8;
	[tilespmem:$0x8200] =	vst v63  }
0x4e: {  	_ = 	snop  }
0x4f: {  	[tilespmem:s12], [sflag:$0x1] =	stream.indirect.gather [hbm4b:s2+s10], $0x40, s10, s10, $0xb8;
	[tilespmem:$0x8200] =	vst v63  }
0x50: {  	_ = 	snop  }
0x51: {  	[tilespmem:s14], [sflag:$0x1] =	stream.indirect.gather [hbm4b:s2+s10], $0x40, s13, s10, $0xb8;
	[tilespmem:$0x8200] =	vst v63  }
0x52: {  	_ = 	snop  }
0x53: {  	[tilespmem:s16], [sflag:$0x1] =	stream.indirect.gather [hbm4b:s2+s10], $0x40, s15, s10, $0xb8;
	[tilespmem:$0x8200] =	vst v63  }
0x54: {  	_ =	swait.ge [sflag:s17], $0x2000  }
0x55: {  	[sflag:s17] =	ssyncset.done $0x0  }
0x56: {  	[sflag:s17] =	ssyncadd.s32 $0xFFFFE000  }
0x57: {  	_ =	swait.ge [sflag:s17], $0x2000  }
0x58: {  	[sflag:s17] =	ssyncset.done $0x0  }
0x59: {  	[sflag:s17] =	ssyncadd.s32 $0xFFFFE000  }
0x5a: {  	_ =	swait.ge [sflag:s17], $0x2000  }
0x5b: {  	[sflag:s17] =	ssyncset.done $0x0  }
0x5c: {  	[sflag:s17] =	ssyncadd.s32 $0xFFFFE000  }
0x5d: {  	_ =	swait.ge [sflag:s17], $0x2000  }
0x5e: {  	[sflag:s17] =	ssyncset.done $0x0  }
0x5f: {  	[sflag:s17] =	ssyncadd.s32 $0xFFFFE000  }
0x60: {  	[hbm4b:s20+s3] =	stream.linear.scatter [tilespmem:s11], [sflag:$0x2], $0x8000, $0x38;
	[tilespmem:$0x8200] =	vst v63  }
0x61: {  	_ =	swait.ge [sflag:s9], $0x8000  }
0x62: {  	[sflag:s9] =	ssyncset.done $0x0  }
0x63: {  	[sflag:s9] =	ssyncadd.s32 $0xFFFF8000  }
0x64: {  	[tilespmem:s3], [sflag:$0x2] =	stream.linear.gather [hbm4b:s4+s3], $0x1A8, $0x38;
	[tilespmem:$0x8200] =	vst v63  }
0x65: {  	_ =	swait.ge [sflag:s9], $0x1A8  }
0x66: {  	[sflag:s9] =	ssyncset.done $0x0  }
0x67: {  	[sflag:s9] =	ssyncadd.s32 $0xFFFFFE58  }
0x68: {  	[tilespmem:s11], [sflag:$0x1] =	stream.indirect.gather [hbm4b:s2+s10], $0x40, s3, s10, $0xb8;
	[tilespmem:$0x8200] =	vst v63  }
0x69: {  	_ = 	snop  }
0x6a: {  	[tilespmem:s12], [sflag:$0x1] =	stream.indirect.gather [hbm4b:s2+s10], $0x40, s10, s10, $0xb8;
	[tilespmem:$0x8200] =	vst v63  }
0x6b: {  	_ = 	snop  }
0x6c: {  	[tilespmem:s14], [sflag:$0x1] =	stream.indirect.gather [hbm4b:s2+s10], $0x40, s13, s10, $0xb8;
	[tilespmem:$0x8200] =	vst v63  }
0x6d: {  	_ = 	snop  }
0x6e: {  	[tilespmem:s16], [sflag:$0x1] =	stream.indirect.gather [hbm4b:s2+s18], $0x40, s15, s18, $0xb8;
	[tilespmem:$0x8200] =	vst v63  }
0x6f: {  	_ =	swait.ge [sflag:s17], $0x2000  }
0x70: {  	[sflag:s17] =	ssyncset.done $0x0  }
0x71: {  	[sflag:s17] =	ssyncadd.s32 $0xFFFFE000  }
0x72: {  	_ =	swait.ge [sflag:s17], $0x2000  }
0x73: {  	[sflag:s17] =	ssyncset.done $0x0  }
0x74: {  	[sflag:s17] =	ssyncadd.s32 $0xFFFFE000  }
0x75: {  	_ =	swait.ge [sflag:s17], $0x2000  }
0x76: {  	[sflag:s17] =	ssyncset.done $0x0  }
0x77: {  	[sflag:s17] =	ssyncadd.s32 $0xFFFFE000  }
0x78: {  	s19 =	sadd.s32 $0x1, s19;
	_ =	swait.ge [sflag:s17], $0xA00  }
0x79: {  	p0 =	sne.s32 s19, s6;
	[sflag:s17] =	ssyncset.done $0x0  }
.Ltmp1:
0x7a: {  	[sflag:s17] =	ssyncadd.s32 $0xFFFFF600;
	(pc) =	sbr.rel @p0 .LBB2_1-.Ltmp1, $4  }
0x7b: {  	[hbm4b:s5+s3] =	stream.linear.scatter [tilespmem:s11], [sflag:$0x2], $0x6A00, $0x38;
	[tilespmem:$0x8200] =	vst v63  }
0x7c: {  	_ =	swait.ge [sflag:s9], $0x6A00  }
0x7d: {  	[sflag:s9] =	ssyncset.done $0x0  }
0x7e: {  	[sflag:s9] =	ssyncadd.s32 $0xFFFF9600  }
0x7f: {  	_ =	sfence.sel $0x180000  }
0x80: {  	[bflag:$0x0] =	sbarrier.arrive $0xFFFF  }
0x81: {  	p0 =	sne.s32 s1, $0x0;
	_ =	strace $0x90000047  }
0x82: {  	s0 =	sadd.s32 @!p0 $0x100000, s0;
	[bflag:$0x2] =	sbarrier.arrive $0xFFFF  }
0x83: {  	[sflag:s0] =	ssyncadd.tile.s32 @!p0 $0x1;
	_ =	shalt  }
.Lfunc_end2:
_tile_overlayer_lowered:
.L_overlay_start_2:
0x84: {  	(tag) =	ssettag $0x2  }
0x85: {  	s0 =	rddreg [dreg:$0x0];
	s2 =	stileid.u32  }
0x86: {  	s1 =	rddreg [dreg:$0x1];
	p0 =	sne.s32 s2, $0x0  }
0x87: {  	s3 =	rddreg [dreg:$0x2];
	[bflag:$0x3] =	sbarrier.arrive $0xFFFF;
	s2 =	simm.s32 @!p0 $0x1C02  }
0x88: {  	[timem:s3], [sflag:s2] =	dma.local @!p0 [hbm:s0], s1  }
0x89: {  	s0 =	simm.s32 @!p0 $0x2  }
0x8a: {  	_ =	swait.ge @!p0 [sflag:s0], s1  }
0x8b: {  	s1 =	ssub.s32 @!p0 $0x0, s1;
	[sflag:s0] =	ssyncset.done @!p0 $0x0  }
0x8c: {  	[sflag:s0] =	ssyncadd.s32 @!p0 s1  }
0x8d: {  	[bflag:$0x3] =	sbarrier.arrive $0xFFFF  }
0x8e: {  	_ =	shalt  }

// kernel: kernel.9.cloned.1.call-start
scs
__scs_entry_jumppad:
0x0: {  	(pc) =	sbr.rel $0x88, $3  }
0x1: {  	(tag) =	ssettag $0x0;
	lr =	simm.s32 $0x1  }
0x2: {  	[smem:$0x3F8D] =	sst lr;
	_ =	strace $0xD0000000  }
0x3: {  	_ = 	snop  }
0x4: {  	_ = 	snop  }
0x5: {  	_ = 	snop  }
0x6: {  	_ = 	snop  }
0x7: {  	_ = 	snop  }
__scs_overlays_trampoline_lowered:
0x8: {  	[smem:$0x3F9C] =	sst s0  }
0x9: {  	[smem:$0x3F9D] =	sst s1  }
0xa: {  	[smem:$0x3F9E] =	sst s2  }
0xb: {  	[smem:$0x3F9F] =	sst s3  }
0xc: {  	[smem:$0x3FA0] =	sst s4  }
0xd: {  	[smem:$0x3FA1] =	sst s5  }
0xe: {  	[smem:$0x3FA2] =	sst s6  }
0xf: {  	[smem:$0x3FA3] =	sst s7  }
0x10: {  	[smem:$0x3FA4] =	sst s8  }
0x11: {  	[smem:$0x3FA5] =	sst s9;
	s0 =	simm.s32 @!p0 $0x0  }
0x12: {  	s1 =	sld [smem:$0x3F8B];
	s0 =	simm.s32 @p0 $0x1  }
0x13: {  	[smem:$0x3FA6] =	sst s0;
	s0 =	simm.s32 @!p1 $0x0  }
0x14: {  	s2 =	sld [smem:$0x3F8A];
	s0 =	simm.s32 @p1 $0x1  }
0x15: {  	[smem:$0x3FA7] =	sst s0;
	s0 =	simm.s32 @!p2 $0x0  }
0x16: {  	s3 =	sld [smem:$0x3FDB];
	s0 =	simm.s32 @p2 $0x1  }
0x17: {  	s4 =	simm.s32 $0x1BF5;
	[smem:$0x3FA9] =	sst s0  }
0x18: {  	s0 =	sld [smem:$0x3F8C];
	_ =	swait.ge [sflag:s4], $0x0  }
0x19: {  	s7 =	sld [smem:$0x3F8D]  }
0x1a: {  	s8 =	sadd.s32 $0xFFFFE003, lr  }
0x1b: {  	s9 =	sadd.s32 $0xFFFFFEF7, lr;
	s5 =	simm.s32 $0xFFFFFFFF;
	p2 =	slt.u32 s8, $0xFFFFF086  }
0x1c: {  	p1 =	slt.u32 s9, $0xF7A;
	s5 =	simm.s32 @!p2 $0x0  }
0x1d: {  	s5 =	simm.s32 @p1 $0x1;
	p0 =	seq.s32 s7, s2  }
0x1e: {  	s7 =	smul.u32 @!p0 $0xF7A, s2;
	p2 =	seq.s32 @!p0 s5, $0x0  }
0x1f: {  	s9 =	smul.u32 $0xF7A, s1;
	s8 =	simm.s32 @!p0 $0x1BF5;
	p2 =	por !p2, p0  }
0x20: {  	[sflag:s8] =	ssyncset.s32 @!p0 $0xFFFFF086;
	s6 =	sadd.s32 @!p0 s3, s7;
	s7 =	simm.s32 @!p0 $0x108  }
0x21: {  	s3 =	sadd.s32 s3, s9;
	s6 =	sadd.s32 @!p0 $0x88, s6;
	s7 =	simm.s32 @p2 $0x1082  }
0x22: {  	[simem:s7], [sflag:s8] =	dma.local @!p0 [hbm:s6], $0xF7A  }
0x23: {  	s9 =	sor.u32 $0xD0000000, s2;
	s6 =	simm.s32 $0x108;
	_ =	swait.ge @!p0 [sflag:s8], $0x0  }
0x24: {  	s3 =	sadd.s32 $0x88, s3;
	s6 =	simm.s32 @!p1 $0x1082;
	[sflag:s4] =	ssyncset.s32 $0xFFFFF086  }
0x25: {  	[simem:s6], [sflag:s4] =	dma.local [hbm:s3], $0xF7A  }
0x26: {  	[smem:$0x3F8D] =	sst s1;
	(tag) =	ssettag s2;
	_ =	strace s9  }
0x27: {  	s1 =	sld [smem:$0x3F9D]  }
0x28: {  	s2 =	sld [smem:$0x3F9E]  }
0x29: {  	s4 =	sld [smem:$0x3FA0]  }
0x2a: {  	p0 =	seq.s32 s5, $0x0;
	s5 =	sld [smem:$0x3FA1]  }
0x2b: {  	s6 =	sld [smem:$0x3FA2]  }
0x2c: {  	s7 =	sld [smem:$0x3FA3]  }
0x2d: {  	s3 =	simm.s32 $0x108;
	s8 =	sld [smem:$0x3FA4]  }
0x2e: {  	s3 =	simm.s32 @!p0 $0x1082;
	s9 =	sld [smem:$0x3FA5]  }
0x2f: {  	lr =	sadd.s32 s0, s3;
	s0 =	sld [smem:$0x3F9C]  }
0x30: {  	s3 =	sld [smem:$0x3F9F]  }
0x31: {  	[smem:$0x3FA8] =	sst s10  }
0x32: {  	s10 =	sld [smem:$0x3FA6];
	_ =	sdelay $0x3  }
0x33: {  	p0 =	seq.s32 s10, $0x1;
	s10 =	sld [smem:$0x3FA8];
	_ =	sdelay $0x3  }
0x34: {  	[smem:$0x3FA8] =	sst s10  }
0x35: {  	s10 =	sld [smem:$0x3FA7];
	_ =	sdelay $0x3  }
0x36: {  	p1 =	seq.s32 s10, $0x1;
	s10 =	sld [smem:$0x3FA8];
	_ =	sdelay $0x3  }
0x37: {  	[smem:$0x3FA8] =	sst s10  }
0x38: {  	s10 =	sld [smem:$0x3FA9]  }
0x39: {  	_ = 	snop;
	(pc) =	sbr.ind lr, $3  }
0x3a: {  	_ = 	snop  }
0x3b: {  	_ = 	snop  }
0x3c: {  	p2 =	seq.s32 s10, $0x1;
	s10 =	sld [smem:$0x3FA8]  }
0x3d: {  	_ =	shalt  }
0x3e: {  	_ =	shalt  }
0x3f: {  	_ =	shalt  }
0x40: {  	_ =	shalt  }
0x41: {  	_ =	shalt  }
0x42: {  	_ =	shalt  }
0x43: {  	_ =	shalt  }
0x44: {  	_ =	shalt  }
0x45: {  	_ =	shalt  }
0x46: {  	_ =	shalt  }
0x47: {  	_ =	shalt  }
0x48: {  	_ =	shalt  }
0x49: {  	_ =	shalt  }
0x4a: {  	_ =	shalt  }
0x4b: {  	_ =	shalt  }
0x4c: {  	_ =	shalt  }
0x4d: {  	_ =	shalt  }
0x4e: {  	_ =	shalt  }
0x4f: {  	_ =	shalt  }
0x50: {  	_ =	shalt  }
0x51: {  	_ =	shalt  }
0x52: {  	_ =	shalt  }
0x53: {  	_ =	shalt  }
0x54: {  	_ =	shalt  }
0x55: {  	_ =	shalt  }
0x56: {  	_ =	shalt  }
0x57: {  	_ =	shalt  }
0x58: {  	_ =	shalt  }
0x59: {  	_ =	shalt  }
0x5a: {  	_ =	shalt  }
0x5b: {  	_ =	shalt  }
0x5c: {  	_ =	shalt  }
0x5d: {  	_ =	shalt  }
0x5e: {  	_ =	shalt  }
0x5f: {  	_ =	shalt  }
0x60: {  	_ =	shalt  }
0x61: {  	_ =	shalt  }
0x62: {  	_ =	shalt  }
0x63: {  	_ =	shalt  }
0x64: {  	_ =	shalt  }
0x65: {  	_ =	shalt  }
0x66: {  	_ =	shalt  }
0x67: {  	_ =	shalt  }
0x68: {  	_ =	shalt  }
0x69: {  	_ =	shalt  }
0x6a: {  	_ =	shalt  }
0x6b: {  	_ =	shalt  }
0x6c: {  	_ =	shalt  }
0x6d: {  	_ =	shalt  }
0x6e: {  	_ =	shalt  }
0x6f: {  	_ =	shalt  }
0x70: {  	_ =	shalt  }
0x71: {  	_ =	shalt  }
0x72: {  	_ =	shalt  }
0x73: {  	_ =	shalt  }
0x74: {  	_ =	shalt  }
0x75: {  	_ =	shalt  }
0x76: {  	_ =	shalt  }
0x77: {  	_ =	shalt  }
0x78: {  	_ =	shalt  }
0x79: {  	_ =	shalt  }
0x7a: {  	_ =	shalt  }
0x7b: {  	_ =	shalt  }
0x7c: {  	_ =	shalt  }
0x7d: {  	_ =	shalt  }
0x7e: {  	_ =	shalt  }
0x7f: {  	_ =	shalt  }
0x80: {  	_ =	shalt  }
0x81: {  	_ =	shalt  }
0x82: {  	_ =	shalt  }
0x83: {  	_ =	shalt  }
0x84: {  	_ =	shalt  }
0x85: {  	_ =	shalt  }
0x86: {  	_ =	shalt  }
0x87: {  	_ =	shalt  }
.Lfunc_end0:
.L_simem_size_0:
called_computation.2_lowered:
.L_overlay_start_0:
0x88: {  	s2 =	sld [smem:$0x3FD9]  }
0x89: {  	s3 =	sld [smem:$0x3FFE];
	_ =	sdelay $0x1  }
0x8a: {  	s1 =	srdreg.scid  }
0x8b: {  	s0 =	sand.u32 $0x1, s1  }
0x8c: {  	s17 =	sshll.u32 s0, $0xA;
	s2 =	sadd.s32 s3, s2  }
0x8d: {  	s2 =	sadd.s32 s2, s17  }
0x8e: {  	[smem:$0x3FB4] =	sst s2  }
0x8f: {  	_ = 	snop  }
0x90: {  	s2 =	sld [smem:$0x3FD0];
	(tm) =	ssettm $0x1  }
0x91: {  	s18 =	sld [smem:$0x3FFB];
	_ =	sdelay $0x3  }
0x92: {  	_ =	strace s18  }
0x93: {  	s3 =	sld [smem:$0x3FFC];
	_ =	sdelay $0x3  }
0x94: {  	_ =	strace s3  }
0x95: {  	s3 =	sld [smem:$0x3FFD];
	_ =	sdelay $0x3  }
0x96: {  	_ =	strace s3  }
0x97: {  	_ =	strace $0x8FFFFFFF  }
0x98: {  	s19 =	sld [smem:$0x3FDB];
	_ =	sdelay $0x1  }
0x99: {  	s4 =	simm.s32 $_scs_section_size  }
0x9a: {  	s5 =	simm.s32 $_size__tile_overlayer_lowered;
	s6 =	simm.s32 $_tile_overlayer_lowered  }
0x9b: {  	s22 =	simm.s32 $0x1BFF;
	s21 =	sshll.u32 s6, $0x1;
	s3 =	sadd.s32 s4, s19  }
0x9c: {  	s7 =	simm.s32 $0x0;
	s20 =	sshll.u32 s5, $0x1;
	s5 =	sadd.s32 s21, s3  }
0x9d: {  	[timem:s7], [sflag:s22] =	dma.local [hbm:s5], s20  }
0x9e: {  	_ =	swait.ge [sflag:s22], s20  }
0x9f: {  	s4 =	ssub.s32 $0x0, s20;
	[sflag:s22] =	ssyncset.done $0x0  }
0xa0: {  	[sflag:s22] =	ssyncadd.s32 s4;
	_ =	sdelay $0x1  }
0xa1: {  	s23 =	simm.s32 $0x1B8B  }
0xa2: {  	_ =	swait.ge [sflag:s23], $0x1  }
0xa3: {  	[sflag:s23] =	ssyncset.done $0x0  }
0xa4: {  	s25 =	simm.s32 $0x1B8E;
	s24 =	sld [smem:$0x3FFE];
	[sflag:s23] =	ssyncadd.s32 $0xFFFFFFFF  }
0xa5: {  	s26 =	simm.s32 $execute0_lowered;
	[smem:$0x3FD2] =	sst s25  }
0xa6: {  	s5 =	sshll.u32 s26, $0x1;
	_ =	strace $0x8000004C;
	[dreg:$0x1] =	wrdreg $0xFFFFFFFF  }
0xa7: {  	s28 =	simm.s32 $_size_execute0_lowered;
	s3 =	sadd.s32 s3, s5;
	[dreg:$0x0] =	wrdreg $0x0  }
0xa8: {  	s5 =	sshll.u32 s28, $0x1;
	[dreg:$0x2] =	wrdreg s3  }
0xa9: {  	[dreg:$0x3] =	wrdreg s5  }
0xaa: {  	[dreg:$0x4] =	wrdreg $0xC0  }
0xab: {  	_ =	task [dreg:s7], $0x5FFFF  }
0xac: {  	[dreg:$0x1] =	wrdreg $0xFFFFFFFF  }
0xad: {  	[dreg:$0x0] =	wrdreg $0x60  }
0xae: {  	[dreg:$0x2] =	wrdreg s2  }
0xaf: {  	[dreg:$0x3] =	wrdreg s24  }
0xb0: {  	[dreg:$0x4] =	wrdreg $0x4A000  }
0xb1: {  	[dreg:$0x5] =	wrdreg $0x9  }
0xb2: {  	_ =	task.clear_ibuf [dreg:s7], $0x6FFFF;
	_ =	strace $0x9000004C  }
0xb3: {  	s29 =	simm.s32 $0x9;
	_ =	strace $0x8000004E  }
0xb4: {  	_ =	swait.ge [sflag:s29], $0x1  }
0xb5: {  	[sflag:s29] =	ssyncadd.s32 $0xFFFFFFFF  }
0xb6: {  	_ =	strace $0x9000004E  }
0xb7: {  	_ =	sfence  }
0xb8: {  	s30 =	sld [smem:$0x0];
	_ =	sdelay $0x2  }
0xb9: {  	s31 =	sshll.u32 s1, $0xD;
	s1 =	sshrl.u32 s1, $0x2  }
0xba: {  	s3 =	sand.u32 $0x4000, s31;
	s1 =	sadd.s32 s1, s30  }
0xbb: {  	s0 =	sor.u32 s3, s0;
	s1 =	sshll.u32 s1, $0x11  }
0xbc: {  	s0 =	sor.u32 s1, s0  }
0xbd: {  	s0 =	sadd.s32 $0x8F2B, s0  }
0xbe: {  	[sflag:s0] =	ssyncadd.remote.s32 $0x1  }
0xbf: {  	_ =	sfence.sel $0xFFFF  }
0xc0: {  	[dreg:$0x0] =	wrdreg $0xFFFFFFFF;
	(pc) =	sbr.abs _section_cstart, $3  }
0xc1: {  	[dreg:$0x1] =	wrdreg $0xFFFFFFFF  }
0xc2: {  	_ =	task.clear_ibuf [dreg:s7], $0x2FFFF;
	_ =	strace $0x9FFFFFFF  }
0xc3: {  	(tm) =	ssettm $0x7FFFFFFF  }
tec
execute0_lowered:
.L_overlay_start_1:
0x0: {  	(tag) =	ssettag $0x1  }
0x1: {  	s9 =	rddreg [dreg:$0x0]  }
0x2: {  	s4 =	rddreg [dreg:$0x1]  }
0x3: {  	s1 =	rddreg [dreg:$0x2];
	s2 =	srdreg.scid  }
0x4: {  	s0 =	rddreg [dreg:$0x3];
	s5 =	sand.u32 $0x1, s2  }
0x5: {  	s2 =	stileid.u32;
	s6 =	smul.u32 $0x30D400, s5  }
0x6: {  	s3 =	simm.s32 $0x0;
	s14 =	simm.s32 $0x1200;
	s7 =	smul.u32 $0x186, s2  }
0x7: {  	s15 =	simm.s32 $0x100;
	s16 =	simm.s32 $0x2200;
	s8 =	smul.u32 $0x31000, s5  }
0x8: {  	s17 =	simm.s32 $0x180;
	[smem:$0x7FF] =	sst s3;
	s11 =	smul.u32 $0x62000, s2  }
0x9: {  	s18 =	simm.s32 $0x3200;
	_ =	strace $0x8000004D;
	s29 =	smul.u32 $0x18800, s2  }
0xa: {  	s10 =	smin.u32 s2, $0xA;
	s24 =	ssub.s32 $0x2, s5;
	s30 =	smul.u32 $0x30C00, s2  }
0xb: {  	p0 =	sgt.u32 s2, $0x9;
	s5 =	sshrl.u32 s24, $0x1;
	s6 =	sadd.s32 s6, s4  }
0xc: {  	s7 =	sadd.s32 s10, s7;
	s8 =	sadd.s32 s8, s4;
	s25 =	sshrl.u32 s11, $0x2  }
0xd: {  	s13 =	ssub.s32 s24, s5;
	s21 =	sshrl.u32 s29, $0x3;
	s22 =	sadd.s32 s29, s1  }
0xe: {  	s10 =	sshll.u32 s10, $0x9;
	s11 =	simm.s32 $0x1;
	s12 =	sshll.u32 s7, $0x7  }
0xf: {  	s4 =	sadd.s32 s25, s1;
	s5 =	sadd.s32 $0xF7800, s6;
	s20 =	sadd.s32 $0x712000, s8  }
0x10: {  	s7 =	smax.u32 s13, $0x1;
	s8 =	sadd.s32 s10, s30;
	s10 =	simm.s32 $0x4200  }
0x11: {  	s13 =	simm.s32 $0x80;
	s26 =	sadd.s32 $0xC200, s12;
	s31 =	sshrl.u32 s12, $0x3  }
0x12: {  	s12 =	simm.s32 $0x200;
	s20 =	sadd.s32 s21, s20;
	s21 =	sshrl.u32 s22, $0x3  }
0x13: {  	s22 =	simm.s32 $0x0;
	s28 =	sshrl.u32 s26, $0x3;
	s19 =	sshll.u32 s26, $0x2  }
0x14: {  	v0 =	vimm.f32 $0.0e+00;
	s6 =	sadd.s32 s9, s28;
	s9 =	sadd.s32 s31, s9;
	s19 =	sadd.s32 s19, s5  }
.LBB2_1:
0x15: {  	s23 =	simm.s32 $0x0  }
.LBB2_2:
0x16: {  	p1 =	sne.s32 s23, $0x1F80  }
.Ltmp0:
0x17: {  	_ = 	snop;
	(pc) =	sbr.rel @p1 .LBB2_2-.Ltmp0, $4  }
0x18: {  	_ = 	snop  }
0x19: {  	s24 =	sshra.s32 s23, $0x2  }
0x1a: {  	[tilespmem:s24+$0x4200] =	vst v0  }
0x1b: {  	s23 =	sadd.s32 $0x80, s23;
	[tilespmem:s24+$0x4210] =	vst v0  }
0x1c: {  	s23 =	sadd.s32 $0x0, s4  }
0x1d: {  	[spmem:s23] =	stream.linear.scatter [tilespmem:s10], [sflag:$0x1], $0x800, $0x38;
	[tilespmem:$0x1D200] =	vst v63  }
0x1e: {  	s23 =	simm.s32 $0x2000;
	_ =	swait.ge [sflag:s11], $0x800  }
.LBB2_4:
0x1f: {  	s24 =	sshra.s32 s23, $0x2;
	[sflag:s11] =	ssyncset.done $0x0;
	p1 =	sne.s32 s23, $0x60000  }
.Ltmp1:
0x20: {  	s24 =	sadd.s32 s24, s4;
	[sflag:s11] =	ssyncadd.s32 $0xFFFFF800;
	(pc) =	sbr.rel @p1 .LBB2_4-.Ltmp1, $3  }
0x21: {  	[spmem:s24] =	stream.linear.scatter [tilespmem:s10], [sflag:$0x1], $0x800, $0x38;
	[tilespmem:$0x1D200] =	vst v63  }
0x22: {  	s23 =	sadd.s32 $0x2000, s23;
	_ =	sdelay $0x1  }
0x23: {  	_ =	swait.ge [sflag:s11], $0x800  }
0x24: {  	[sflag:s11] =	ssyncset.done $0x0  }
0x25: {  	[sflag:s11] =	ssyncadd.s32 $0xFFFFF800  }
0x26: {  	s23 =	sadd.s32 $0x0, s9;
	[bflag:$0x0] =	sbarrier.arrive $0xFFFF  }
0x27: {  	[tilespmem:s3], [sflag:$0x1] =	stream.linear.gather [hbm4b:s23+s3], $0x200, $0x38;
	[tilespmem:$0x1D200] =	vst v63  }
0x28: {  	_ =	swait.ge [sflag:s11], $0x200  }
0x29: {  	[sflag:s11] =	ssyncset.done $0x0  }
0x2a: {  	s31 =	sadd.s32 s8, s5;
	[sflag:s11] =	ssyncadd.s32 $0xFFFFFE00  }
0x2b: {  	[tilespmem:s12], [sflag:$0x1] =	stream.linear.gather [hbm4b:s31+s3], $0x4000, $0x38;
	[tilespmem:$0x1D200] =	vst v63  }
0x2c: {  	_ =	swait.ge [sflag:s11], $0x4000  }
0x2d: {  	[sflag:s11] =	ssyncset.done $0x0  }
0x2e: {  	[sflag:s11] =	ssyncadd.s32 $0xFFFFC000  }
0x2f: {  	[spmem:s1] =	stream.indirect.scatter.add.f32 [tilespmem:s12], [sflag:$0x1], $0x20, s3, s13, $0xb8;
	[tilespmem:$0x1D200] =	vst v63  }
0x30: {  	_ =	swait.ge [sflag:s11], $0x1000  }
0x31: {  	[sflag:s11] =	ssyncset.done $0x0  }
0x32: {  	[sflag:s11] =	ssyncadd.s32 $0xFFFFF000  }
0x33: {  	[spmem:s1] =	stream.indirect.scatter.add.f32 [tilespmem:s14], [sflag:$0x1], $0x20, s13, s13, $0xb8;
	[tilespmem:$0x1D200] =	vst v63  }
0x34: {  	_ =	swait.ge [sflag:s11], $0x1000  }
0x35: {  	[sflag:s11] =	ssyncset.done $0x0  }
0x36: {  	[sflag:s11] =	ssyncadd.s32 $0xFFFFF000  }
0x37: {  	[spmem:s1] =	stream.indirect.scatter.add.f32 [tilespmem:s16], [sflag:$0x1], $0x20, s15, s13, $0xb8;
	[tilespmem:$0x1D200] =	vst v63  }
0x38: {  	_ =	swait.ge [sflag:s11], $0x1000  }
0x39: {  	[sflag:s11] =	ssyncset.done $0x0  }
0x3a: {  	[sflag:s11] =	ssyncadd.s32 $0xFFFFF000  }
0x3b: {  	[spmem:s1] =	stream.indirect.scatter.add.f32 [tilespmem:s18], [sflag:$0x1], $0x20, s17, s13, $0xb8;
	[tilespmem:$0x1D200] =	vst v63  }
0x3c: {  	s24 =	simm.s32 $0x40;
	_ =	swait.ge [sflag:s11], $0x1000  }
0x3d: {  	s25 =	simm.s32 $0x80;
	s23 =	sadd.s32 $0x800, s8;
	[sflag:s11] =	ssyncset.done $0x0  }
.LBB2_6:
0x3e: {  	s26 =	sadd.s32 s24, s9  }
0x3f: {  	[sflag:s11] =	ssyncadd.s32 $0xFFFFF000;
	s24 =	smov.u32 s25;
	s28 =	sadd.s32 $0x40, s25  }
0x40: {  	[tilespmem:s3], [sflag:$0x1] =	stream.linear.gather [hbm4b:s26+s3], $0x200, $0x38;
	[tilespmem:$0x1D200] =	vst v63  }
0x41: {  	p1 =	sne.s32 s25, $0x1800;
	_ =	swait.ge [sflag:s11], $0x200  }
0x42: {  	[sflag:s11] =	ssyncset.done $0x0  }
0x43: {  	s25 =	sadd.s32 s23, s5;
	[sflag:s11] =	ssyncadd.s32 $0xFFFFFE00  }
0x44: {  	[tilespmem:s12], [sflag:$0x1] =	stream.linear.gather [hbm4b:s25+s3], $0x4000, $0x38;
	[tilespmem:$0x1D200] =	vst v63  }
0x45: {  	_ =	swait.ge [sflag:s11], $0x4000  }
0x46: {  	[sflag:s11] =	ssyncset.done $0x0  }
0x47: {  	[sflag:s11] =	ssyncadd.s32 $0xFFFFC000  }
0x48: {  	[spmem:s1] =	stream.indirect.scatter.add.f32 [tilespmem:s12], [sflag:$0x1], $0x20, s3, s13, $0xb8;
	[tilespmem:$0x1D200] =	vst v63  }
0x49: {  	_ =	swait.ge [sflag:s11], $0x1000  }
0x4a: {  	[sflag:s11] =	ssyncset.done $0x0  }
0x4b: {  	[sflag:s11] =	ssyncadd.s32 $0xFFFFF000  }
0x4c: {  	[spmem:s1] =	stream.indirect.scatter.add.f32 [tilespmem:s14], [sflag:$0x1], $0x20, s13, s13, $0xb8;
	[tilespmem:$0x1D200] =	vst v63  }
0x4d: {  	_ =	swait.ge [sflag:s11], $0x1000  }
0x4e: {  	[sflag:s11] =	ssyncset.done $0x0  }
0x4f: {  	[sflag:s11] =	ssyncadd.s32 $0xFFFFF000  }
0x50: {  	[spmem:s1] =	stream.indirect.scatter.add.f32 [tilespmem:s16], [sflag:$0x1], $0x20, s15, s13, $0xb8;
	[tilespmem:$0x1D200] =	vst v63  }
0x51: {  	_ =	swait.ge [sflag:s11], $0x1000  }
.Ltmp2:
0x52: {  	[sflag:s11] =	ssyncset.done $0x0;
	(pc) =	sbr.rel @p1 .LBB2_6-.Ltmp2, $4  }
0x53: {  	[sflag:s11] =	ssyncadd.s32 $0xFFFFF000  }
0x54: {  	[spmem:s1] =	stream.indirect.scatter.add.f32 [tilespmem:s18], [sflag:$0x1], $0x20, s17, s13, $0xb8;
	[tilespmem:$0x1D200] =	vst v63  }
0x55: {  	_ =	swait.ge [sflag:s11], $0x1000  }
0x56: {  	s23 =	sadd.s32 $0x800, s23;
	s25 =	smov.u32 s28;
	[sflag:s11] =	ssyncset.done $0x0  }
0x57: {  	s24 =	sadd.s32 s24, s9;
	[sflag:s11] =	ssyncadd.s32 $0xFFFFF000  }
0x58: {  	[tilespmem:s3], [sflag:$0x1] =	stream.linear.gather [hbm4b:s24+s3], $0x200, $0x38;
	[tilespmem:$0x1D200] =	vst v63  }
0x59: {  	_ =	swait.ge [sflag:s11], $0x200  }
0x5a: {  	[sflag:s11] =	ssyncset.done $0x0  }
0x5b: {  	s23 =	sadd.s32 s23, s5;
	[sflag:s11] =	ssyncadd.s32 $0xFFFFFE00  }
0x5c: {  	[tilespmem:s12], [sflag:$0x1] =	stream.linear.gather [hbm4b:s23+s3], $0x4000, $0x38;
	[tilespmem:$0x1D200] =	vst v63  }
0x5d: {  	_ =	swait.ge [sflag:s11], $0x4000  }
0x5e: {  	[sflag:s11] =	ssyncset.done $0x0  }
0x5f: {  	[sflag:s11] =	ssyncadd.s32 $0xFFFFC000  }
0x60: {  	[spmem:s1] =	stream.indirect.scatter.add.f32 [tilespmem:s12], [sflag:$0x1], $0x20, s3, s13, $0xb8;
	[tilespmem:$0x1D200] =	vst v63  }
0x61: {  	_ =	swait.ge [sflag:s11], $0x1000  }
0x62: {  	[sflag:s11] =	ssyncset.done $0x0  }
0x63: {  	[sflag:s11] =	ssyncadd.s32 $0xFFFFF000  }
0x64: {  	[spmem:s1] =	stream.indirect.scatter.add.f32 [tilespmem:s14], [sflag:$0x1], $0x20, s13, s13, $0xb8;
	[tilespmem:$0x1D200] =	vst v63  }
0x65: {  	_ =	swait.ge [sflag:s11], $0x1000  }
0x66: {  	[sflag:s11] =	ssyncset.done $0x0  }
0x67: {  	[sflag:s11] =	ssyncadd.s32 $0xFFFFF000  }
0x68: {  	[spmem:s1] =	stream.indirect.scatter.add.f32 [tilespmem:s16], [sflag:$0x1], $0x20, s15, s13, $0xb8;
	[tilespmem:$0x1D200] =	vst v63  }
0x69: {  	_ =	swait.ge [sflag:s11], $0x1000  }
0x6a: {  	[sflag:s11] =	ssyncset.done $0x0  }
0x6b: {  	[sflag:s11] =	ssyncadd.s32 $0xFFFFF000  }
0x6c: {  	[spmem:s1] =	stream.indirect.scatter.add.f32 [tilespmem:s18], [sflag:$0x1], $0x20, s17, s13, $0xb8;
	[tilespmem:$0x1D200] =	vst v63  }
0x6d: {  	_ =	swait.ge [sflag:s11], $0x1000  }
0x6e: {  	[sflag:s11] =	ssyncset.done $0x0  }
0x6f: {  	s24 =	simm.s32 @p0 $0x1;
	s23 =	simm.s32 @p0 $0x0;
	[sflag:s11] =	ssyncadd.s32 $0xFFFFF000  }
0x70: {  	[tilespmem:s23], [sflag:$0x1] =	stream.linear.gather @p0 [hbm4b:s6+s23], $0x100, $0x38;
	[tilespmem:$0x1D200] =	vst v63  }
0x71: {  	_ =	swait.ge @p0 [sflag:s24], $0x100  }
0x72: {  	[sflag:s24] =	ssyncset.done @p0 $0x0  }
0x73: {  	s25 =	simm.s32 @p0 $0x200;
	[sflag:s24] =	ssyncadd.s32 @p0 $0xFFFFFF00  }
0x74: {  	[tilespmem:s25], [sflag:$0x1] =	stream.linear.gather @p0 [hbm4b:s19+s23], $0x2000, $0x38;
	[tilespmem:$0x1D200] =	vst v63  }
0x75: {  	_ =	swait.ge @p0 [sflag:s24], $0x2000  }
0x76: {  	[sflag:s24] =	ssyncset.done @p0 $0x0  }
0x77: {  	s26 =	simm.s32 @p0 $0x80;
	[sflag:s24] =	ssyncadd.s32 @p0 $0xFFFFE000  }
0x78: {  	[spmem:s1] =	stream.indirect.scatter.add.f32 @p0 [tilespmem:s25], [sflag:$0x1], $0x20, s23, s26, $0xb8;
	[tilespmem:$0x1D200] =	vst v63  }
0x79: {  	_ =	swait.ge @p0 [sflag:s24], $0x1000  }
0x7a: {  	[sflag:s24] =	ssyncset.done @p0 $0x0  }
0x7b: {  	s23 =	simm.s32 @p0 $0x1200;
	[sflag:s24] =	ssyncadd.s32 @p0 $0xFFFFF000  }
0x7c: {  	[spmem:s1] =	stream.indirect.scatter.add.f32 @p0 [tilespmem:s23], [sflag:$0x1], $0x20, s26, s26, $0xb8;
	[tilespmem:$0x1D200] =	vst v63  }
0x7d: {  	s24 =	simm.s32 @!p0 $0x1;
	s23 =	simm.s32 @!p0 $0x0  }
0x7e: {  	[tilespmem:s23], [sflag:$0x1] =	stream.linear.gather @!p0 [hbm4b:s6+s23], $0x180, $0x38;
	[tilespmem:$0x1D200] =	vst v63  }
0x7f: {  	_ =	swait.ge @!p0 [sflag:s24], $0x180  }
0x80: {  	[sflag:s24] =	ssyncset.done @!p0 $0x0  }
0x81: {  	s25 =	simm.s32 @!p0 $0x200;
	[sflag:s24] =	ssyncadd.s32 @!p0 $0xFFFFFE80  }
0x82: {  	[tilespmem:s25], [sflag:$0x1] =	stream.linear.gather @!p0 [hbm4b:s19+s23], $0x3000, $0x38;
	[tilespmem:$0x1D200] =	vst v63  }
0x83: {  	_ =	swait.ge @!p0 [sflag:s24], $0x3000  }
0x84: {  	[sflag:s24] =	ssyncset.done @!p0 $0x0  }
0x85: {  	s26 =	simm.s32 @!p0 $0x80;
	[sflag:s24] =	ssyncadd.s32 @!p0 $0xFFFFD000  }
0x86: {  	[spmem:s1] =	stream.indirect.scatter.add.f32 @!p0 [tilespmem:s25], [sflag:$0x1], $0x20, s23, s26, $0xb8;
	[tilespmem:$0x1D200] =	vst v63  }
0x87: {  	_ =	swait.ge @!p0 [sflag:s24], $0x1000  }
0x88: {  	[sflag:s24] =	ssyncset.done @!p0 $0x0  }
0x89: {  	s23 =	simm.s32 @!p0 $0x1200;
	[sflag:s24] =	ssyncadd.s32 @!p0 $0xFFFFF000  }
0x8a: {  	[spmem:s1] =	stream.indirect.scatter.add.f32 @!p0 [tilespmem:s23], [sflag:$0x1], $0x20, s26, s26, $0xb8;
	[tilespmem:$0x1D200] =	vst v63  }
0x8b: {  	_ =	swait.ge @!p0 [sflag:s24], $0x1000  }
0x8c: {  	[sflag:s24] =	ssyncset.done @!p0 $0x0  }
0x8d: {  	s23 =	simm.s32 @!p0 $0x100;
	[sflag:s24] =	ssyncadd.s32 @!p0 $0xFFFFF000;
	s24 =	simm.s32 @!p0 $0x2200  }
0x8e: {  	[spmem:s1] =	stream.indirect.scatter.add.f32 @!p0 [tilespmem:s24], [sflag:$0x1], $0x20, s23, s26, $0xb8;
	[tilespmem:$0x1D200] =	vst v63  }
0x8f: {  	_ =	swait.ge [sflag:s11], $0x1000  }
0x90: {  	s22 =	sadd.s32 $0x1, s22;
	[sflag:s11] =	ssyncset.done $0x0  }
0x91: {  	s31 =	sshll.u32 s2, $0x6;
	p1 =	sne.s32 s22, s7;
	[sflag:s11] =	ssyncadd.s32 $0xFFFFF000  }
.Ltmp3:
0x92: {  	s23 =	sor.u32 $0x1C01, s31;
	[bflag:$0x0] =	sbarrier.arrive $0xFFFF;
	(pc) =	sbr.rel @p1 .LBB2_1-.Ltmp3, $4  }
0x93: {  	[hbm:s20], [sflag:s23] =	dma.local [spmem:s21], $0x3100  }
0x94: {  	_ =	swait.ge [sflag:s11], $0x3100  }
0x95: {  	[sflag:s11] =	ssyncset.done $0x0  }
0x96: {  	[sflag:s11] =	ssyncadd.s32 $0xFFFFCF00  }
0x97: {  	_ =	sfence.sel $0x180000  }
0x98: {  	[bflag:$0x0] =	sbarrier.arrive $0xFFFF  }
0x99: {  	p0 =	sne.s32 s2, $0x0;
	_ =	strace $0x9000004D  }
0x9a: {  	s0 =	sadd.s32 @!p0 $0x100000, s0;
	[bflag:$0x2] =	sbarrier.arrive $0xFFFF  }
0x9b: {  	[sflag:s0] =	ssyncadd.tile.s32 @!p0 $0x1;
	_ =	shalt  }
.Lfunc_end2:
_tile_overlayer_lowered:
.L_overlay_start_2:
0x9c: {  	(tag) =	ssettag $0x2  }
0x9d: {  	s0 =	rddreg [dreg:$0x0];
	s2 =	stileid.u32  }
0x9e: {  	s1 =	rddreg [dreg:$0x1];
	p0 =	sne.s32 s2, $0x0  }
0x9f: {  	s3 =	rddreg [dreg:$0x2];
	[bflag:$0x3] =	sbarrier.arrive $0xFFFF;
	s2 =	simm.s32 @!p0 $0x1C01  }
0xa0: {  	[timem:s3], [sflag:s2] =	dma.local @!p0 [hbm:s0], s1  }
0xa1: {  	s0 =	simm.s32 @!p0 $0x1  }
0xa2: {  	_ =	swait.ge @!p0 [sflag:s0], s1  }
0xa3: {  	s1 =	ssub.s32 @!p0 $0x0, s1;
	[sflag:s0] =	ssyncset.done @!p0 $0x0  }
0xa4: {  	[sflag:s0] =	ssyncadd.s32 @!p0 s1  }
0xa5: {  	[bflag:$0x3] =	sbarrier.arrive $0xFFFF  }
0xa6: {  	_ =	shalt  }

</sc_bundles>
